<compile_context>
chip_gen: v7x
topology: tpu7x:2x2x1
jax: 0.10.2.dev20260603
libtpu: 0.0.44.dev20260713+nightly
codegen_flags: <defaults>
</compile_context>

<pallas_src>
import functools

import jax
import jax.numpy as jnp
from jax import lax
from jax.experimental import pallas as pl
from jax.experimental.pallas import tpu as pltpu
from jax.experimental.pallas import tpu_sc as plsc

B = 16384
V = 1000
D_V = 16
D_J = 8
D_O = D_V + D_J

_INFO = plsc.get_sparse_core_info()
_NC, _NS, _L = _INFO.num_cores, _INFO.num_subcores, _INFO.num_lanes
_NW = _NC * _NS
_BPW = B // _NW
_GRP = _BPW // _L


def _sc_body(idxv_hbm, idxj_hbm, wvt_hbm, wjt_hbm, out_hbm,
             idxv_v, idxj_v, wv_v, wj_v, comb_v, sem_v, sem_j, sem_i, sem_o):
    wid = lax.axis_index("s") * _NC + lax.axis_index("c")
    base = wid * _BPW

    cp_wv = pltpu.async_copy(wvt_hbm, wv_v, sem_v)
    cp_wj = pltpu.async_copy(wjt_hbm, wj_v, sem_j)
    cp_i1 = pltpu.async_copy(idxv_hbm.at[pl.ds(base, _BPW)], idxv_v, sem_i)
    cp_i2 = pltpu.async_copy(idxj_hbm.at[pl.ds(base, _BPW)], idxj_v, sem_i)

    cvecs = [jnp.broadcast_to(jnp.int32(c), (_L,)) for c in range(D_V)]

    cp_i1.wait()
    cp_i2.wait()
    cp_wv.wait()

    @plsc.parallel_loop(0, _GRP, unroll=2)
    def _vgroup(g):
        off = g * _L
        ivv = idxv_v[pl.ds(off, _L)]
        for c in range(D_V):
            comb_v[c, pl.ds(off, _L)] = plsc.load_gather(wv_v, [cvecs[c], ivv])

    cp_wj.wait()

    @plsc.parallel_loop(0, _GRP, unroll=2)
    def _jgroup(g):
        off = g * _L
        ivj = idxj_v[pl.ds(off, _L)]
        for c in range(D_J):
            comb_v[D_V + c, pl.ds(off, _L)] = plsc.load_gather(
                wj_v, [cvecs[c], ivj])

    pltpu.sync_copy(comb_v, out_hbm.at[:, pl.ds(base, _BPW)])


@jax.jit
def _gene_encode(idxv, idxj, wvt, wjt):
    mesh = plsc.VectorSubcoreMesh(core_axis_name="c", subcore_axis_name="s")
    k = functools.partial(
        pl.kernel,
        mesh=mesh,
        compiler_params=pltpu.CompilerParams(
            needs_layout_passes=False, disable_bounds_checks=True),
        out_type=jax.ShapeDtypeStruct((D_O, B), jnp.float32),
        scratch_types=[
            pltpu.VMEM((_BPW,), jnp.int32),
            pltpu.VMEM((_BPW,), jnp.int32),
            pltpu.VMEM((D_V, V), jnp.float32),
            pltpu.VMEM((D_J, V), jnp.float32),
            pltpu.VMEM((D_O, _BPW), jnp.float32),
            pltpu.SemaphoreType.DMA,
            pltpu.SemaphoreType.DMA,
            pltpu.SemaphoreType.DMA,
            pltpu.SemaphoreType.DMA,
        ],
    )(_sc_body)
    return k(idxv, idxj, wvt, wjt)


def kernel(TRA_v_gene, TRA_j_gene, W_v, W_j):
    zt = _gene_encode(
        TRA_v_gene.astype(jnp.int32),
        TRA_j_gene.astype(jnp.int32),
        W_v.T,
        W_j.T,
    )
    return zt.T

# --- scband reference (transcript-rebuilt; emitter-appended) ---
"""Pipeline reference for scband-get-gene-encoder-22926535426644 (READ-ONLY COPY).

The authoritative reference and input builder live on the scoring server;
editing this copy changes nothing except your own understanding.
"""

import jax, jax.numpy as jnp
import numpy as np

B = 16384
V = 1000  # gene_width = len(word_index) + 1 = 999 + 1
D_V = 16
D_J = 8

def setup_inputs(seed: int = 0) -> dict:
    key = jax.random.key(seed)
    k1, k2, k3, k4 = jax.random.split(key, 4)
    TRA_v_gene = jax.random.randint(k1, (B,), 0, V)
    TRA_j_gene = jax.random.randint(k2, (B,), 0, V)
    # learned embedding tables for each gene_extractor (one per gene column)
    W_v = jax.random.normal(k3, (V, D_V), dtype=jnp.float32) * 0.02
    W_j = jax.random.normal(k4, (V, D_J), dtype=jnp.float32) * 0.02
    return {"TRA_v_gene": TRA_v_gene, "TRA_j_gene": TRA_j_gene, "W_v": W_v, "W_j": W_j}

def reference(TRA_v_gene, TRA_j_gene, W_v, W_j):
    # embedding_concatenate over gene_cols = ['TRA_v_gene', 'TRA_j_gene']
    # each gene_extractor: embedding lookup (dropout inactive at eval)
    z_v = jnp.take(W_v, TRA_v_gene, axis=0)  # [B, 16]
    z_j = jnp.take(W_j, TRA_j_gene, axis=0)  # [B, 8]
    z = jnp.concatenate([z_v, z_j], axis=1)  # [B, 24]
    return z

if __name__ == "__main__":
    import jax
    _d = setup_inputs()
    print(jax.jit(kernel)(*tuple(_d.values())))

</pallas_src>

<mosaic_0001>
#map = affine_map<(d0, d1) -> (0)>
#map1 = affine_map<(d0, d1) -> (0, 0)>
module attributes {stable_mosaic.version = 14 : i64} {
  func.func @_sc_body(%arg0: i32, %arg1: i32, %arg2: memref<16384xi32, #tpu.memory_space<hbm>>, %arg3: memref<16384xi32, #tpu.memory_space<hbm>>, %arg4: memref<16x1000xf32, #tpu.memory_space<hbm>>, %arg5: memref<8x1000xf32, #tpu.memory_space<hbm>>, %arg6: memref<24x16384xf32, #tpu.memory_space<hbm>>, %arg7: memref<512xi32, #tpu.memory_space<vmem>>, %arg8: memref<512xi32, #tpu.memory_space<vmem>>, %arg9: memref<16x1000xf32, #tpu.memory_space<vmem>>, %arg10: memref<8x1000xf32, #tpu.memory_space<vmem>>, %arg11: memref<24x512xf32, #tpu.memory_space<vmem>>, %arg12: memref<!tpu.dma_semaphore, #tpu.memory_space<semaphore_mem>>, %arg13: memref<!tpu.dma_semaphore, #tpu.memory_space<semaphore_mem>>, %arg14: memref<!tpu.dma_semaphore, #tpu.memory_space<semaphore_mem>>, %arg15: memref<!tpu.dma_semaphore, #tpu.memory_space<semaphore_mem>>) attributes {dimension_semantics = [#tpu.dimension_semantics<core_parallel>, #tpu.dimension_semantics<subcore_parallel>], iteration_bounds = array<i64: 2, 16>, scalar_prefetch = 0 : i64, scratch_operands = 9 : i64, tpu.core_type = #tpu.core_type<sc_vector_subcore>, window_params = [{transform_indices = #map}, {transform_indices = #map}, {transform_indices = #map1}, {transform_indices = #map1}, {transform_indices = #map1}]} {
    %mul3A = arith.constant 2 : i32
    %mul3A_0 = arith.muli %arg1, %mul3A : i32
    %add3A = arith.addi %mul3A_0, %arg0 : i32
    %mul3A_1 = arith.constant 512 : i32
    %mul3A_2 = arith.muli %add3A, %mul3A_1 : i32
    tpu.enqueue_dma source(%arg4 : memref<16x1000xf32, #tpu.memory_space<hbm>>) target(%arg9 : memref<16x1000xf32, #tpu.memory_space<vmem>>) target_semaphore(%arg12 : memref<!tpu.dma_semaphore, #tpu.memory_space<semaphore_mem>>)
    tpu.enqueue_dma source(%arg5 : memref<8x1000xf32, #tpu.memory_space<hbm>>) target(%arg10 : memref<8x1000xf32, #tpu.memory_space<vmem>>) target_semaphore(%arg13 : memref<!tpu.dma_semaphore, #tpu.memory_space<semaphore_mem>>)
    %dma_start3A = tpu.memref_slice %arg2[%mul3A_2] : memref<16384xi32, #tpu.memory_space<hbm>> -> memref<512xi32, #tpu.memory_space<hbm>>
    %dma_start3A_3 = tpu.memref_slice %arg2[%mul3A_2] : memref<16384xi32, #tpu.memory_space<hbm>> -> memref<512xi32, #tpu.memory_space<hbm>>
    tpu.enqueue_dma source(%dma_start3A_3 : memref<512xi32, #tpu.memory_space<hbm>>) target(%arg7 : memref<512xi32, #tpu.memory_space<vmem>>) target_semaphore(%arg14 : memref<!tpu.dma_semaphore, #tpu.memory_space<semaphore_mem>>)
    %dma_start3A_4 = tpu.memref_slice %arg3[%mul3A_2] : memref<16384xi32, #tpu.memory_space<hbm>> -> memref<512xi32, #tpu.memory_space<hbm>>
    %dma_start3A_5 = tpu.memref_slice %arg3[%mul3A_2] : memref<16384xi32, #tpu.memory_space<hbm>> -> memref<512xi32, #tpu.memory_space<hbm>>
    tpu.enqueue_dma source(%dma_start3A_5 : memref<512xi32, #tpu.memory_space<hbm>>) target(%arg8 : memref<512xi32, #tpu.memory_space<vmem>>) target_semaphore(%arg14 : memref<!tpu.dma_semaphore, #tpu.memory_space<semaphore_mem>>)
    %broadcast_in_dim3A = arith.constant 0 : i32
    %broadcast_in_dim3A_6 = vector.broadcast %broadcast_in_dim3A : i32 to vector<16xi32>
    %broadcast_in_dim3A_7 = arith.constant 1 : i32
    %broadcast_in_dim3A_8 = vector.broadcast %broadcast_in_dim3A_7 : i32 to vector<16xi32>
    %broadcast_in_dim3A_9 = arith.constant 2 : i32
    %broadcast_in_dim3A_10 = vector.broadcast %broadcast_in_dim3A_9 : i32 to vector<16xi32>
    %broadcast_in_dim3A_11 = arith.constant 3 : i32
    %broadcast_in_dim3A_12 = vector.broadcast %broadcast_in_dim3A_11 : i32 to vector<16xi32>
    %broadcast_in_dim3A_13 = arith.constant 4 : i32
    %broadcast_in_dim3A_14 = vector.broadcast %broadcast_in_dim3A_13 : i32 to vector<16xi32>
    %broadcast_in_dim3A_15 = arith.constant 5 : i32
    %broadcast_in_dim3A_16 = vector.broadcast %broadcast_in_dim3A_15 : i32 to vector<16xi32>
    %broadcast_in_dim3A_17 = arith.constant 6 : i32
    %broadcast_in_dim3A_18 = vector.broadcast %broadcast_in_dim3A_17 : i32 to vector<16xi32>
    %broadcast_in_dim3A_19 = arith.constant 7 : i32
    %broadcast_in_dim3A_20 = vector.broadcast %broadcast_in_dim3A_19 : i32 to vector<16xi32>
    %broadcast_in_dim3A_21 = arith.constant 8 : i32
    %broadcast_in_dim3A_22 = vector.broadcast %broadcast_in_dim3A_21 : i32 to vector<16xi32>
    %broadcast_in_dim3A_23 = arith.constant 9 : i32
    %broadcast_in_dim3A_24 = vector.broadcast %broadcast_in_dim3A_23 : i32 to vector<16xi32>
    %broadcast_in_dim3A_25 = arith.constant 10 : i32
    %broadcast_in_dim3A_26 = vector.broadcast %broadcast_in_dim3A_25 : i32 to vector<16xi32>
    %broadcast_in_dim3A_27 = arith.constant 11 : i32
    %broadcast_in_dim3A_28 = vector.broadcast %broadcast_in_dim3A_27 : i32 to vector<16xi32>
    %broadcast_in_dim3A_29 = arith.constant 12 : i32
    %broadcast_in_dim3A_30 = vector.broadcast %broadcast_in_dim3A_29 : i32 to vector<16xi32>
    %broadcast_in_dim3A_31 = arith.constant 13 : i32
    %broadcast_in_dim3A_32 = vector.broadcast %broadcast_in_dim3A_31 : i32 to vector<16xi32>
    %broadcast_in_dim3A_33 = arith.constant 14 : i32
    %broadcast_in_dim3A_34 = vector.broadcast %broadcast_in_dim3A_33 : i32 to vector<16xi32>
    %broadcast_in_dim3A_35 = arith.constant 15 : i32
    %broadcast_in_dim3A_36 = vector.broadcast %broadcast_in_dim3A_35 : i32 to vector<16xi32>
    %dma_wait3A = tpu.memref_slice %arg2[%mul3A_2] : memref<16384xi32, #tpu.memory_space<hbm>> -> memref<512xi32, #tpu.memory_space<hbm>>
    %dma_wait3A_37 = tpu.memref_slice %arg2[%mul3A_2] : memref<16384xi32, #tpu.memory_space<hbm>> -> memref<512xi32, #tpu.memory_space<hbm>>
    tpu.wait_dma2 semaphore(%arg14 : memref<!tpu.dma_semaphore, #tpu.memory_space<semaphore_mem>>) src(%dma_wait3A_37 : memref<512xi32, #tpu.memory_space<hbm>>) dst(%arg7 : memref<512xi32, #tpu.memory_space<vmem>>)
    %dma_wait3A_38 = tpu.memref_slice %arg3[%mul3A_2] : memref<16384xi32, #tpu.memory_space<hbm>> -> memref<512xi32, #tpu.memory_space<hbm>>
    %dma_wait3A_39 = tpu.memref_slice %arg3[%mul3A_2] : memref<16384xi32, #tpu.memory_space<hbm>> -> memref<512xi32, #tpu.memory_space<hbm>>
    tpu.wait_dma2 semaphore(%arg14 : memref<!tpu.dma_semaphore, #tpu.memory_space<semaphore_mem>>) src(%dma_wait3A_39 : memref<512xi32, #tpu.memory_space<hbm>>) dst(%arg8 : memref<512xi32, #tpu.memory_space<vmem>>)
    tpu.wait_dma2 semaphore(%arg12 : memref<!tpu.dma_semaphore, #tpu.memory_space<semaphore_mem>>) src(%arg4 : memref<16x1000xf32, #tpu.memory_space<hbm>>) dst(%arg9 : memref<16x1000xf32, #tpu.memory_space<vmem>>)
    %parallel_loop3A = arith.constant 0 : i32
    %parallel_loop3A_40 = arith.constant 32 : i32
    %parallel_loop3A_41 = arith.constant 1 : i32
    scf.for %parallel_loop3A_45 = %parallel_loop3A to %parallel_loop3A_40 step %parallel_loop3A_41  : i32 {
      %parallel_loop3A_46 = arith.constant 16 : i32
      %parallel_loop3A_47 = arith.muli %parallel_loop3A_45, %parallel_loop3A_46 : i32
      %parallel_loop3A_48 = arith.index_cast %parallel_loop3A_47 : i32 to index
      %parallel_loop3A_49 = tpu.vector_load %arg7[%parallel_loop3A_48] {strides = array<i32>} : memref<512xi32, #tpu.memory_space<vmem>>, vector<16xi32>,
      %parallel_loop3A_50 = tpu.vector_load_idx %arg9[%broadcast_in_dim3A_6, %parallel_loop3A_49] : memref<16x1000xf32, #tpu.memory_space<vmem>>[vector<16xi32>, vector<16xi32>], vector<16xf32>,
      %parallel_loop3A_51 = arith.constant 0 : i32
      %parallel_loop3A_52 = arith.index_cast %parallel_loop3A_51 : i32 to index
      %parallel_loop3A_53 = arith.index_cast %parallel_loop3A_47 : i32 to index
      %parallel_loop3A_54 = tpu.vector_load %arg11[%parallel_loop3A_52, %parallel_loop3A_53] {strides = array<i32>} : memref<24x512xf32, #tpu.memory_space<vmem>>, vector<16xf32>,
      tpu.vector_store %arg11[%parallel_loop3A_52, %parallel_loop3A_53], %parallel_loop3A_50 {strides = array<i32>} : memref<24x512xf32, #tpu.memory_space<vmem>>, vector<16xf32>,
      %parallel_loop3A_55 = tpu.vector_load_idx %arg9[%broadcast_in_dim3A_8, %parallel_loop3A_49] : memref<16x1000xf32, #tpu.memory_space<vmem>>[vector<16xi32>, vector<16xi32>], vector<16xf32>,
      %parallel_loop3A_56 = arith.constant 1 : i32
      %parallel_loop3A_57 = arith.index_cast %parallel_loop3A_56 : i32 to index
      %parallel_loop3A_58 = arith.index_cast %parallel_loop3A_47 : i32 to index
      %parallel_loop3A_59 = tpu.vector_load %arg11[%parallel_loop3A_57, %parallel_loop3A_58] {strides = array<i32>} : memref<24x512xf32, #tpu.memory_space<vmem>>, vector<16xf32>,
      tpu.vector_store %arg11[%parallel_loop3A_57, %parallel_loop3A_58], %parallel_loop3A_55 {strides = array<i32>} : memref<24x512xf32, #tpu.memory_space<vmem>>, vector<16xf32>,
      %parallel_loop3A_60 = tpu.vector_load_idx %arg9[%broadcast_in_dim3A_10, %parallel_loop3A_49] : memref<16x1000xf32, #tpu.memory_space<vmem>>[vector<16xi32>, vector<16xi32>], vector<16xf32>,
      %parallel_loop3A_61 = arith.constant 2 : i32
      %parallel_loop3A_62 = arith.index_cast %parallel_loop3A_61 : i32 to index
      %parallel_loop3A_63 = arith.index_cast %parallel_loop3A_47 : i32 to index
      %parallel_loop3A_64 = tpu.vector_load %arg11[%parallel_loop3A_62, %parallel_loop3A_63] {strides = array<i32>} : memref<24x512xf32, #tpu.memory_space<vmem>>, vector<16xf32>,
      tpu.vector_store %arg11[%parallel_loop3A_62, %parallel_loop3A_63], %parallel_loop3A_60 {strides = array<i32>} : memref<24x512xf32, #tpu.memory_space<vmem>>, vector<16xf32>,
      %parallel_loop3A_65 = tpu.vector_load_idx %arg9[%broadcast_in_dim3A_12, %parallel_loop3A_49] : memref<16x1000xf32, #tpu.memory_space<vmem>>[vector<16xi32>, vector<16xi32>], vector<16xf32>,
      %parallel_loop3A_66 = arith.constant 3 : i32
      %parallel_loop3A_67 = arith.index_cast %parallel_loop3A_66 : i32 to index
      %parallel_loop3A_68 = arith.index_cast %parallel_loop3A_47 : i32 to index
      %parallel_loop3A_69 = tpu.vector_load %arg11[%parallel_loop3A_67, %parallel_loop3A_68] {strides = array<i32>} : memref<24x512xf32, #tpu.memory_space<vmem>>, vector<16xf32>,
      tpu.vector_store %arg11[%parallel_loop3A_67, %parallel_loop3A_68], %parallel_loop3A_65 {strides = array<i32>} : memref<24x512xf32, #tpu.memory_space<vmem>>, vector<16xf32>,
      %parallel_loop3A_70 = tpu.vector_load_idx %arg9[%broadcast_in_dim3A_14, %parallel_loop3A_49] : memref<16x1000xf32, #tpu.memory_space<vmem>>[vector<16xi32>, vector<16xi32>], vector<16xf32>,
      %parallel_loop3A_71 = arith.constant 4 : i32
      %parallel_loop3A_72 = arith.index_cast %parallel_loop3A_71 : i32 to index
      %parallel_loop3A_73 = arith.index_cast %parallel_loop3A_47 : i32 to index
      %parallel_loop3A_74 = tpu.vector_load %arg11[%parallel_loop3A_72, %parallel_loop3A_73] {strides = array<i32>} : memref<24x512xf32, #tpu.memory_space<vmem>>, vector<16xf32>,
      tpu.vector_store %arg11[%parallel_loop3A_72, %parallel_loop3A_73], %parallel_loop3A_70 {strides = array<i32>} : memref<24x512xf32, #tpu.memory_space<vmem>>, vector<16xf32>,
      %parallel_loop3A_75 = tpu.vector_load_idx %arg9[%broadcast_in_dim3A_16, %parallel_loop3A_49] : memref<16x1000xf32, #tpu.memory_space<vmem>>[vector<16xi32>, vector<16xi32>], vector<16xf32>,
      %parallel_loop3A_76 = arith.constant 5 : i32
      %parallel_loop3A_77 = arith.index_cast %parallel_loop3A_76 : i32 to index
      %parallel_loop3A_78 = arith.index_cast %parallel_loop3A_47 : i32 to index
      %parallel_loop3A_79 = tpu.vector_load %arg11[%parallel_loop3A_77, %parallel_loop3A_78] {strides = array<i32>} : memref<24x512xf32, #tpu.memory_space<vmem>>, vector<16xf32>,
      tpu.vector_store %arg11[%parallel_loop3A_77, %parallel_loop3A_78], %parallel_loop3A_75 {strides = array<i32>} : memref<24x512xf32, #tpu.memory_space<vmem>>, vector<16xf32>,
      %parallel_loop3A_80 = tpu.vector_load_idx %arg9[%broadcast_in_dim3A_18, %parallel_loop3A_49] : memref<16x1000xf32, #tpu.memory_space<vmem>>[vector<16xi32>, vector<16xi32>], vector<16xf32>,
      %parallel_loop3A_81 = arith.constant 6 : i32
      %parallel_loop3A_82 = arith.index_cast %parallel_loop3A_81 : i32 to index
      %parallel_loop3A_83 = arith.index_cast %parallel_loop3A_47 : i32 to index
      %parallel_loop3A_84 = tpu.vector_load %arg11[%parallel_loop3A_82, %parallel_loop3A_83] {strides = array<i32>} : memref<24x512xf32, #tpu.memory_space<vmem>>, vector<16xf32>,
      tpu.vector_store %arg11[%parallel_loop3A_82, %parallel_loop3A_83], %parallel_loop3A_80 {strides = array<i32>} : memref<24x512xf32, #tpu.memory_space<vmem>>, vector<16xf32>,
      %parallel_loop3A_85 = tpu.vector_load_idx %arg9[%broadcast_in_dim3A_20, %parallel_loop3A_49] : memref<16x1000xf32, #tpu.memory_space<vmem>>[vector<16xi32>, vector<16xi32>], vector<16xf32>,
      %parallel_loop3A_86 = arith.constant 7 : i32
      %parallel_loop3A_87 = arith.index_cast %parallel_loop3A_86 : i32 to index
      %parallel_loop3A_88 = arith.index_cast %parallel_loop3A_47 : i32 to index
      %parallel_loop3A_89 = tpu.vector_load %arg11[%parallel_loop3A_87, %parallel_loop3A_88] {strides = array<i32>} : memref<24x512xf32, #tpu.memory_space<vmem>>, vector<16xf32>,
      tpu.vector_store %arg11[%parallel_loop3A_87, %parallel_loop3A_88], %parallel_loop3A_85 {strides = array<i32>} : memref<24x512xf32, #tpu.memory_space<vmem>>, vector<16xf32>,
      %parallel_loop3A_90 = tpu.vector_load_idx %arg9[%broadcast_in_dim3A_22, %parallel_loop3A_49] : memref<16x1000xf32, #tpu.memory_space<vmem>>[vector<16xi32>, vector<16xi32>], vector<16xf32>,
      %parallel_loop3A_91 = arith.constant 8 : i32
      %parallel_loop3A_92 = arith.index_cast %parallel_loop3A_91 : i32 to index
      %parallel_loop3A_93 = arith.index_cast %parallel_loop3A_47 : i32 to index
      %parallel_loop3A_94 = tpu.vector_load %arg11[%parallel_loop3A_92, %parallel_loop3A_93] {strides = array<i32>} : memref<24x512xf32, #tpu.memory_space<vmem>>, vector<16xf32>,
      tpu.vector_store %arg11[%parallel_loop3A_92, %parallel_loop3A_93], %parallel_loop3A_90 {strides = array<i32>} : memref<24x512xf32, #tpu.memory_space<vmem>>, vector<16xf32>,
      %parallel_loop3A_95 = tpu.vector_load_idx %arg9[%broadcast_in_dim3A_24, %parallel_loop3A_49] : memref<16x1000xf32, #tpu.memory_space<vmem>>[vector<16xi32>, vector<16xi32>], vector<16xf32>,
      %parallel_loop3A_96 = arith.constant 9 : i32
      %parallel_loop3A_97 = arith.index_cast %parallel_loop3A_96 : i32 to index
      %parallel_loop3A_98 = arith.index_cast %parallel_loop3A_47 : i32 to index
      %parallel_loop3A_99 = tpu.vector_load %arg11[%parallel_loop3A_97, %parallel_loop3A_98] {strides = array<i32>} : memref<24x512xf32, #tpu.memory_space<vmem>>, vector<16xf32>,
      tpu.vector_store %arg11[%parallel_loop3A_97, %parallel_loop3A_98], %parallel_loop3A_95 {strides = array<i32>} : memref<24x512xf32, #tpu.memory_space<vmem>>, vector<16xf32>,
      %parallel_loop3A_100 = tpu.vector_load_idx %arg9[%broadcast_in_dim3A_26, %parallel_loop3A_49] : memref<16x1000xf32, #tpu.memory_space<vmem>>[vector<16xi32>, vector<16xi32>], vector<16xf32>,
      %parallel_loop3A_101 = arith.constant 10 : i32
      %parallel_loop3A_102 = arith.index_cast %parallel_loop3A_101 : i32 to index
      %parallel_loop3A_103 = arith.index_cast %parallel_loop3A_47 : i32 to index
      %parallel_loop3A_104 = tpu.vector_load %arg11[%parallel_loop3A_102, %parallel_loop3A_103] {strides = array<i32>} : memref<24x512xf32, #tpu.memory_space<vmem>>, vector<16xf32>,
      tpu.vector_store %arg11[%parallel_loop3A_102, %parallel_loop3A_103], %parallel_loop3A_100 {strides = array<i32>} : memref<24x512xf32, #tpu.memory_space<vmem>>, vector<16xf32>,
      %parallel_loop3A_105 = tpu.vector_load_idx %arg9[%broadcast_in_dim3A_28, %parallel_loop3A_49] : memref<16x1000xf32, #tpu.memory_space<vmem>>[vector<16xi32>, vector<16xi32>], vector<16xf32>,
      %parallel_loop3A_106 = arith.constant 11 : i32
      %parallel_loop3A_107 = arith.index_cast %parallel_loop3A_106 : i32 to index
      %parallel_loop3A_108 = arith.index_cast %parallel_loop3A_47 : i32 to index
      %parallel_loop3A_109 = tpu.vector_load %arg11[%parallel_loop3A_107, %parallel_loop3A_108] {strides = array<i32>} : memref<24x512xf32, #tpu.memory_space<vmem>>, vector<16xf32>,
      tpu.vector_store %arg11[%parallel_loop3A_107, %parallel_loop3A_108], %parallel_loop3A_105 {strides = array<i32>} : memref<24x512xf32, #tpu.memory_space<vmem>>, vector<16xf32>,
      %parallel_loop3A_110 = tpu.vector_load_idx %arg9[%broadcast_in_dim3A_30, %parallel_loop3A_49] : memref<16x1000xf32, #tpu.memory_space<vmem>>[vector<16xi32>, vector<16xi32>], vector<16xf32>,
      %parallel_loop3A_111 = arith.constant 12 : i32
      %parallel_loop3A_112 = arith.index_cast %parallel_loop3A_111 : i32 to index
      %parallel_loop3A_113 = arith.index_cast %parallel_loop3A_47 : i32 to index
      %parallel_loop3A_114 = tpu.vector_load %arg11[%parallel_loop3A_112, %parallel_loop3A_113] {strides = array<i32>} : memref<24x512xf32, #tpu.memory_space<vmem>>, vector<16xf32>,
      tpu.vector_store %arg11[%parallel_loop3A_112, %parallel_loop3A_113], %parallel_loop3A_110 {strides = array<i32>} : memref<24x512xf32, #tpu.memory_space<vmem>>, vector<16xf32>,
      %parallel_loop3A_115 = tpu.vector_load_idx %arg9[%broadcast_in_dim3A_32, %parallel_loop3A_49] : memref<16x1000xf32, #tpu.memory_space<vmem>>[vector<16xi32>, vector<16xi32>], vector<16xf32>,
      %parallel_loop3A_116 = arith.constant 13 : i32
      %parallel_loop3A_117 = arith.index_cast %parallel_loop3A_116 : i32 to index
      %parallel_loop3A_118 = arith.index_cast %parallel_loop3A_47 : i32 to index
      %parallel_loop3A_119 = tpu.vector_load %arg11[%parallel_loop3A_117, %parallel_loop3A_118] {strides = array<i32>} : memref<24x512xf32, #tpu.memory_space<vmem>>, vector<16xf32>,
      tpu.vector_store %arg11[%parallel_loop3A_117, %parallel_loop3A_118], %parallel_loop3A_115 {strides = array<i32>} : memref<24x512xf32, #tpu.memory_space<vmem>>, vector<16xf32>,
      %parallel_loop3A_120 = tpu.vector_load_idx %arg9[%broadcast_in_dim3A_34, %parallel_loop3A_49] : memref<16x1000xf32, #tpu.memory_space<vmem>>[vector<16xi32>, vector<16xi32>], vector<16xf32>,
      %parallel_loop3A_121 = arith.constant 14 : i32
      %parallel_loop3A_122 = arith.index_cast %parallel_loop3A_121 : i32 to index
      %parallel_loop3A_123 = arith.index_cast %parallel_loop3A_47 : i32 to index
      %parallel_loop3A_124 = tpu.vector_load %arg11[%parallel_loop3A_122, %parallel_loop3A_123] {strides = array<i32>} : memref<24x512xf32, #tpu.memory_space<vmem>>, vector<16xf32>,
      tpu.vector_store %arg11[%parallel_loop3A_122, %parallel_loop3A_123], %parallel_loop3A_120 {strides = array<i32>} : memref<24x512xf32, #tpu.memory_space<vmem>>, vector<16xf32>,
      %parallel_loop3A_125 = tpu.vector_load_idx %arg9[%broadcast_in_dim3A_36, %parallel_loop3A_49] : memref<16x1000xf32, #tpu.memory_space<vmem>>[vector<16xi32>, vector<16xi32>], vector<16xf32>,
      %parallel_loop3A_126 = arith.constant 15 : i32
      %parallel_loop3A_127 = arith.index_cast %parallel_loop3A_126 : i32 to index
      %parallel_loop3A_128 = arith.index_cast %parallel_loop3A_47 : i32 to index
      %parallel_loop3A_129 = tpu.vector_load %arg11[%parallel_loop3A_127, %parallel_loop3A_128] {strides = array<i32>} : memref<24x512xf32, #tpu.memory_space<vmem>>, vector<16xf32>,
      tpu.vector_store %arg11[%parallel_loop3A_127, %parallel_loop3A_128], %parallel_loop3A_125 {strides = array<i32>} : memref<24x512xf32, #tpu.memory_space<vmem>>, vector<16xf32>,
    } {sc.loop_unroll_factor = 2 : i64, sc.parallel_access}
    tpu.wait_dma2 semaphore(%arg13 : memref<!tpu.dma_semaphore, #tpu.memory_space<semaphore_mem>>) src(%arg5 : memref<8x1000xf32, #tpu.memory_space<hbm>>) dst(%arg10 : memref<8x1000xf32, #tpu.memory_space<vmem>>)
    %parallel_loop3A_42 = arith.constant 0 : i32
    %parallel_loop3A_43 = arith.constant 32 : i32
    %parallel_loop3A_44 = arith.constant 1 : i32
    scf.for %parallel_loop3A_45 = %parallel_loop3A_42 to %parallel_loop3A_43 step %parallel_loop3A_44  : i32 {
      %parallel_loop3A_46 = arith.constant 16 : i32
      %parallel_loop3A_47 = arith.muli %parallel_loop3A_45, %parallel_loop3A_46 : i32
      %parallel_loop3A_48 = arith.index_cast %parallel_loop3A_47 : i32 to index
      %parallel_loop3A_49 = tpu.vector_load %arg8[%parallel_loop3A_48] {strides = array<i32>} : memref<512xi32, #tpu.memory_space<vmem>>, vector<16xi32>,
      %parallel_loop3A_50 = tpu.vector_load_idx %arg10[%broadcast_in_dim3A_6, %parallel_loop3A_49] : memref<8x1000xf32, #tpu.memory_space<vmem>>[vector<16xi32>, vector<16xi32>], vector<16xf32>,
      %parallel_loop3A_51 = arith.constant 16 : i32
      %parallel_loop3A_52 = arith.index_cast %parallel_loop3A_51 : i32 to index
      %parallel_loop3A_53 = arith.index_cast %parallel_loop3A_47 : i32 to index
      %parallel_loop3A_54 = tpu.vector_load %arg11[%parallel_loop3A_52, %parallel_loop3A_53] {strides = array<i32>} : memref<24x512xf32, #tpu.memory_space<vmem>>, vector<16xf32>,
      tpu.vector_store %arg11[%parallel_loop3A_52, %parallel_loop3A_53], %parallel_loop3A_50 {strides = array<i32>} : memref<24x512xf32, #tpu.memory_space<vmem>>, vector<16xf32>,
      %parallel_loop3A_55 = tpu.vector_load_idx %arg10[%broadcast_in_dim3A_8, %parallel_loop3A_49] : memref<8x1000xf32, #tpu.memory_space<vmem>>[vector<16xi32>, vector<16xi32>], vector<16xf32>,
      %parallel_loop3A_56 = arith.constant 17 : i32
      %parallel_loop3A_57 = arith.index_cast %parallel_loop3A_56 : i32 to index
      %parallel_loop3A_58 = arith.index_cast %parallel_loop3A_47 : i32 to index
      %parallel_loop3A_59 = tpu.vector_load %arg11[%parallel_loop3A_57, %parallel_loop3A_58] {strides = array<i32>} : memref<24x512xf32, #tpu.memory_space<vmem>>, vector<16xf32>,
      tpu.vector_store %arg11[%parallel_loop3A_57, %parallel_loop3A_58], %parallel_loop3A_55 {strides = array<i32>} : memref<24x512xf32, #tpu.memory_space<vmem>>, vector<16xf32>,
      %parallel_loop3A_60 = tpu.vector_load_idx %arg10[%broadcast_in_dim3A_10, %parallel_loop3A_49] : memref<8x1000xf32, #tpu.memory_space<vmem>>[vector<16xi32>, vector<16xi32>], vector<16xf32>,
      %parallel_loop3A_61 = arith.constant 18 : i32
      %parallel_loop3A_62 = arith.index_cast %parallel_loop3A_61 : i32 to index
      %parallel_loop3A_63 = arith.index_cast %parallel_loop3A_47 : i32 to index
      %parallel_loop3A_64 = tpu.vector_load %arg11[%parallel_loop3A_62, %parallel_loop3A_63] {strides = array<i32>} : memref<24x512xf32, #tpu.memory_space<vmem>>, vector<16xf32>,
      tpu.vector_store %arg11[%parallel_loop3A_62, %parallel_loop3A_63], %parallel_loop3A_60 {strides = array<i32>} : memref<24x512xf32, #tpu.memory_space<vmem>>, vector<16xf32>,
      %parallel_loop3A_65 = tpu.vector_load_idx %arg10[%broadcast_in_dim3A_12, %parallel_loop3A_49] : memref<8x1000xf32, #tpu.memory_space<vmem>>[vector<16xi32>, vector<16xi32>], vector<16xf32>,
      %parallel_loop3A_66 = arith.constant 19 : i32
      %parallel_loop3A_67 = arith.index_cast %parallel_loop3A_66 : i32 to index
      %parallel_loop3A_68 = arith.index_cast %parallel_loop3A_47 : i32 to index
      %parallel_loop3A_69 = tpu.vector_load %arg11[%parallel_loop3A_67, %parallel_loop3A_68] {strides = array<i32>} : memref<24x512xf32, #tpu.memory_space<vmem>>, vector<16xf32>,
      tpu.vector_store %arg11[%parallel_loop3A_67, %parallel_loop3A_68], %parallel_loop3A_65 {strides = array<i32>} : memref<24x512xf32, #tpu.memory_space<vmem>>, vector<16xf32>,
      %parallel_loop3A_70 = tpu.vector_load_idx %arg10[%broadcast_in_dim3A_14, %parallel_loop3A_49] : memref<8x1000xf32, #tpu.memory_space<vmem>>[vector<16xi32>, vector<16xi32>], vector<16xf32>,
      %parallel_loop3A_71 = arith.constant 20 : i32
      %parallel_loop3A_72 = arith.index_cast %parallel_loop3A_71 : i32 to index
      %parallel_loop3A_73 = arith.index_cast %parallel_loop3A_47 : i32 to index
      %parallel_loop3A_74 = tpu.vector_load %arg11[%parallel_loop3A_72, %parallel_loop3A_73] {strides = array<i32>} : memref<24x512xf32, #tpu.memory_space<vmem>>, vector<16xf32>,
      tpu.vector_store %arg11[%parallel_loop3A_72, %parallel_loop3A_73], %parallel_loop3A_70 {strides = array<i32>} : memref<24x512xf32, #tpu.memory_space<vmem>>, vector<16xf32>,
      %parallel_loop3A_75 = tpu.vector_load_idx %arg10[%broadcast_in_dim3A_16, %parallel_loop3A_49] : memref<8x1000xf32, #tpu.memory_space<vmem>>[vector<16xi32>, vector<16xi32>], vector<16xf32>,
      %parallel_loop3A_76 = arith.constant 21 : i32
      %parallel_loop3A_77 = arith.index_cast %parallel_loop3A_76 : i32 to index
      %parallel_loop3A_78 = arith.index_cast %parallel_loop3A_47 : i32 to index
      %parallel_loop3A_79 = tpu.vector_load %arg11[%parallel_loop3A_77, %parallel_loop3A_78] {strides = array<i32>} : memref<24x512xf32, #tpu.memory_space<vmem>>, vector<16xf32>,
      tpu.vector_store %arg11[%parallel_loop3A_77, %parallel_loop3A_78], %parallel_loop3A_75 {strides = array<i32>} : memref<24x512xf32, #tpu.memory_space<vmem>>, vector<16xf32>,
      %parallel_loop3A_80 = tpu.vector_load_idx %arg10[%broadcast_in_dim3A_18, %parallel_loop3A_49] : memref<8x1000xf32, #tpu.memory_space<vmem>>[vector<16xi32>, vector<16xi32>], vector<16xf32>,
      %parallel_loop3A_81 = arith.constant 22 : i32
      %parallel_loop3A_82 = arith.index_cast %parallel_loop3A_81 : i32 to index
      %parallel_loop3A_83 = arith.index_cast %parallel_loop3A_47 : i32 to index
      %parallel_loop3A_84 = tpu.vector_load %arg11[%parallel_loop3A_82, %parallel_loop3A_83] {strides = array<i32>} : memref<24x512xf32, #tpu.memory_space<vmem>>, vector<16xf32>,
      tpu.vector_store %arg11[%parallel_loop3A_82, %parallel_loop3A_83], %parallel_loop3A_80 {strides = array<i32>} : memref<24x512xf32, #tpu.memory_space<vmem>>, vector<16xf32>,
      %parallel_loop3A_85 = tpu.vector_load_idx %arg10[%broadcast_in_dim3A_20, %parallel_loop3A_49] : memref<8x1000xf32, #tpu.memory_space<vmem>>[vector<16xi32>, vector<16xi32>], vector<16xf32>,
      %parallel_loop3A_86 = arith.constant 23 : i32
      %parallel_loop3A_87 = arith.index_cast %parallel_loop3A_86 : i32 to index
      %parallel_loop3A_88 = arith.index_cast %parallel_loop3A_47 : i32 to index
      %parallel_loop3A_89 = tpu.vector_load %arg11[%parallel_loop3A_87, %parallel_loop3A_88] {strides = array<i32>} : memref<24x512xf32, #tpu.memory_space<vmem>>, vector<16xf32>,
      tpu.vector_store %arg11[%parallel_loop3A_87, %parallel_loop3A_88], %parallel_loop3A_85 {strides = array<i32>} : memref<24x512xf32, #tpu.memory_space<vmem>>, vector<16xf32>,
    } {sc.loop_unroll_factor = 2 : i64, sc.parallel_access}
    "tpu.region"() ({
      %run_scoped3A = tpu.sem_alloc : memref<!tpu.dma_semaphore, #tpu.memory_space<semaphore_mem>>
      %dma_start3A_45 = arith.constant 0 : i32
      %dma_start3A_46 = tpu.memref_slice %arg6[%dma_start3A_45, %mul3A_2] : memref<24x16384xf32, #tpu.memory_space<hbm>> -> memref<24x512xf32, #tpu.memory_space<hbm>>
      %dma_start3A_47 = arith.constant 0 : i32
      %dma_start3A_48 = tpu.memref_slice %arg6[%dma_start3A_47, %mul3A_2] : memref<24x16384xf32, #tpu.memory_space<hbm>> -> memref<24x512xf32, #tpu.memory_space<hbm>>
      tpu.enqueue_dma source(%arg11 : memref<24x512xf32, #tpu.memory_space<vmem>>) target(%dma_start3A_48 : memref<24x512xf32, #tpu.memory_space<hbm>>) target_semaphore(%run_scoped3A : memref<!tpu.dma_semaphore, #tpu.memory_space<semaphore_mem>>)
      %dma_wait3A_49 = arith.constant 0 : i32
      %dma_wait3A_50 = tpu.memref_slice %arg6[%dma_wait3A_49, %mul3A_2] : memref<24x16384xf32, #tpu.memory_space<hbm>> -> memref<24x512xf32, #tpu.memory_space<hbm>>
      %dma_wait3A_51 = arith.constant 0 : i32
      %dma_wait3A_52 = tpu.memref_slice %arg6[%dma_wait3A_51, %mul3A_2] : memref<24x16384xf32, #tpu.memory_space<hbm>> -> memref<24x512xf32, #tpu.memory_space<hbm>>
      tpu.wait_dma2 semaphore(%run_scoped3A : memref<!tpu.dma_semaphore, #tpu.memory_space<semaphore_mem>>) src(%arg11 : memref<24x512xf32, #tpu.memory_space<vmem>>) dst(%dma_wait3A_52 : memref<24x512xf32, #tpu.memory_space<hbm>>)
      tpu.yield
    }) : () -> ()
    return
  }
}

</mosaic_0001>

<sc_bundles>
// kernel: _gene_encode.3.cloned.1.call-start
scs
__scs_entry_jumppad:
0x0: {  	(pc) =	sbr.rel $0x88, $3  }
0x1: {  	(tag) =	ssettag $0x0;
	lr =	simm.s32 $0x1  }
0x2: {  	[smem:$0x3F9D] =	sst lr;
	_ =	strace $0xD0000000  }
0x3: {  	_ = 	snop  }
0x4: {  	_ = 	snop  }
0x5: {  	_ = 	snop  }
0x6: {  	_ = 	snop  }
0x7: {  	_ = 	snop  }
__scs_overlays_trampoline_lowered:
0x8: {  	[smem:$0x3FAC] =	sst s0  }
0x9: {  	[smem:$0x3FAD] =	sst s1  }
0xa: {  	[smem:$0x3FAE] =	sst s2  }
0xb: {  	[smem:$0x3FAF] =	sst s3  }
0xc: {  	[smem:$0x3FB0] =	sst s4  }
0xd: {  	[smem:$0x3FB1] =	sst s5  }
0xe: {  	[smem:$0x3FB2] =	sst s6  }
0xf: {  	[smem:$0x3FB3] =	sst s7  }
0x10: {  	[smem:$0x3FB4] =	sst s8  }
0x11: {  	[smem:$0x3FB5] =	sst s9;
	s0 =	simm.s32 @!p0 $0x0  }
0x12: {  	s1 =	sld [smem:$0x3F9B];
	s0 =	simm.s32 @p0 $0x1  }
0x13: {  	[smem:$0x3FB6] =	sst s0;
	s0 =	simm.s32 @!p1 $0x0  }
0x14: {  	s2 =	sld [smem:$0x3F9A];
	s0 =	simm.s32 @p1 $0x1  }
0x15: {  	[smem:$0x3FB7] =	sst s0;
	s0 =	simm.s32 @!p2 $0x0  }
0x16: {  	s3 =	sld [smem:$0x3FDB];
	s0 =	simm.s32 @p2 $0x1  }
0x17: {  	s4 =	simm.s32 $0x1BF5;
	[smem:$0x3FB9] =	sst s0  }
0x18: {  	s0 =	sld [smem:$0x3F9C];
	_ =	swait.ge [sflag:s4], $0x0  }
0x19: {  	s7 =	sld [smem:$0x3F9D]  }
0x1a: {  	s8 =	sadd.s32 $0xFFFFE003, lr  }
0x1b: {  	s9 =	sadd.s32 $0xFFFFFEF7, lr;
	s5 =	simm.s32 $0xFFFFFFFF;
	p2 =	slt.u32 s8, $0xFFFFF086  }
0x1c: {  	p1 =	slt.u32 s9, $0xF7A;
	s5 =	simm.s32 @!p2 $0x0  }
0x1d: {  	s5 =	simm.s32 @p1 $0x1;
	p0 =	seq.s32 s7, s2  }
0x1e: {  	s7 =	smul.u32 @!p0 $0xF7A, s2;
	p2 =	seq.s32 @!p0 s5, $0x0  }
0x1f: {  	s9 =	smul.u32 $0xF7A, s1;
	s8 =	simm.s32 @!p0 $0x1BF5;
	p2 =	por !p2, p0  }
0x20: {  	[sflag:s8] =	ssyncset.s32 @!p0 $0xFFFFF086;
	s6 =	sadd.s32 @!p0 s3, s7;
	s7 =	simm.s32 @!p0 $0x108  }
0x21: {  	s3 =	sadd.s32 s3, s9;
	s6 =	sadd.s32 @!p0 $0x88, s6;
	s7 =	simm.s32 @p2 $0x1082  }
0x22: {  	[simem:s7], [sflag:s8] =	dma.local @!p0 [hbm:s6], $0xF7A  }
0x23: {  	s9 =	sor.u32 $0xD0000000, s2;
	s6 =	simm.s32 $0x108;
	_ =	swait.ge @!p0 [sflag:s8], $0x0  }
0x24: {  	s3 =	sadd.s32 $0x88, s3;
	s6 =	simm.s32 @!p1 $0x1082;
	[sflag:s4] =	ssyncset.s32 $0xFFFFF086  }
0x25: {  	[simem:s6], [sflag:s4] =	dma.local [hbm:s3], $0xF7A  }
0x26: {  	[smem:$0x3F9D] =	sst s1;
	(tag) =	ssettag s2;
	_ =	strace s9  }
0x27: {  	s1 =	sld [smem:$0x3FAD]  }
0x28: {  	s2 =	sld [smem:$0x3FAE]  }
0x29: {  	s4 =	sld [smem:$0x3FB0]  }
0x2a: {  	p0 =	seq.s32 s5, $0x0;
	s5 =	sld [smem:$0x3FB1]  }
0x2b: {  	s6 =	sld [smem:$0x3FB2]  }
0x2c: {  	s7 =	sld [smem:$0x3FB3]  }
0x2d: {  	s3 =	simm.s32 $0x108;
	s8 =	sld [smem:$0x3FB4]  }
0x2e: {  	s3 =	simm.s32 @!p0 $0x1082;
	s9 =	sld [smem:$0x3FB5]  }
0x2f: {  	lr =	sadd.s32 s0, s3;
	s0 =	sld [smem:$0x3FAC]  }
0x30: {  	s3 =	sld [smem:$0x3FAF]  }
0x31: {  	[smem:$0x3FB8] =	sst s10  }
0x32: {  	s10 =	sld [smem:$0x3FB6];
	_ =	sdelay $0x3  }
0x33: {  	p0 =	seq.s32 s10, $0x1;
	s10 =	sld [smem:$0x3FB8];
	_ =	sdelay $0x3  }
0x34: {  	[smem:$0x3FB8] =	sst s10  }
0x35: {  	s10 =	sld [smem:$0x3FB7];
	_ =	sdelay $0x3  }
0x36: {  	p1 =	seq.s32 s10, $0x1;
	s10 =	sld [smem:$0x3FB8];
	_ =	sdelay $0x3  }
0x37: {  	[smem:$0x3FB8] =	sst s10  }
0x38: {  	s10 =	sld [smem:$0x3FB9]  }
0x39: {  	_ = 	snop;
	(pc) =	sbr.ind lr, $3  }
0x3a: {  	_ = 	snop  }
0x3b: {  	_ = 	snop  }
0x3c: {  	p2 =	seq.s32 s10, $0x1;
	s10 =	sld [smem:$0x3FB8]  }
0x3d: {  	_ =	shalt  }
0x3e: {  	_ =	shalt  }
0x3f: {  	_ =	shalt  }
0x40: {  	_ =	shalt  }
0x41: {  	_ =	shalt  }
0x42: {  	_ =	shalt  }
0x43: {  	_ =	shalt  }
0x44: {  	_ =	shalt  }
0x45: {  	_ =	shalt  }
0x46: {  	_ =	shalt  }
0x47: {  	_ =	shalt  }
0x48: {  	_ =	shalt  }
0x49: {  	_ =	shalt  }
0x4a: {  	_ =	shalt  }
0x4b: {  	_ =	shalt  }
0x4c: {  	_ =	shalt  }
0x4d: {  	_ =	shalt  }
0x4e: {  	_ =	shalt  }
0x4f: {  	_ =	shalt  }
0x50: {  	_ =	shalt  }
0x51: {  	_ =	shalt  }
0x52: {  	_ =	shalt  }
0x53: {  	_ =	shalt  }
0x54: {  	_ =	shalt  }
0x55: {  	_ =	shalt  }
0x56: {  	_ =	shalt  }
0x57: {  	_ =	shalt  }
0x58: {  	_ =	shalt  }
0x59: {  	_ =	shalt  }
0x5a: {  	_ =	shalt  }
0x5b: {  	_ =	shalt  }
0x5c: {  	_ =	shalt  }
0x5d: {  	_ =	shalt  }
0x5e: {  	_ =	shalt  }
0x5f: {  	_ =	shalt  }
0x60: {  	_ =	shalt  }
0x61: {  	_ =	shalt  }
0x62: {  	_ =	shalt  }
0x63: {  	_ =	shalt  }
0x64: {  	_ =	shalt  }
0x65: {  	_ =	shalt  }
0x66: {  	_ =	shalt  }
0x67: {  	_ =	shalt  }
0x68: {  	_ =	shalt  }
0x69: {  	_ =	shalt  }
0x6a: {  	_ =	shalt  }
0x6b: {  	_ =	shalt  }
0x6c: {  	_ =	shalt  }
0x6d: {  	_ =	shalt  }
0x6e: {  	_ =	shalt  }
0x6f: {  	_ =	shalt  }
0x70: {  	_ =	shalt  }
0x71: {  	_ =	shalt  }
0x72: {  	_ =	shalt  }
0x73: {  	_ =	shalt  }
0x74: {  	_ =	shalt  }
0x75: {  	_ =	shalt  }
0x76: {  	_ =	shalt  }
0x77: {  	_ =	shalt  }
0x78: {  	_ =	shalt  }
0x79: {  	_ =	shalt  }
0x7a: {  	_ =	shalt  }
0x7b: {  	_ =	shalt  }
0x7c: {  	_ =	shalt  }
0x7d: {  	_ =	shalt  }
0x7e: {  	_ =	shalt  }
0x7f: {  	_ =	shalt  }
0x80: {  	_ =	shalt  }
0x81: {  	_ =	shalt  }
0x82: {  	_ =	shalt  }
0x83: {  	_ =	shalt  }
0x84: {  	_ =	shalt  }
0x85: {  	_ =	shalt  }
0x86: {  	_ =	shalt  }
0x87: {  	_ =	shalt  }
.Lfunc_end0:
.L_simem_size_0:
called_computation_lowered:
.L_overlay_start_0:
0x88: {  	s2 =	sld [smem:$0x3FD9]  }
0x89: {  	s3 =	sld [smem:$0x3FFE];
	_ =	sdelay $0x1  }
0x8a: {  	s1 =	srdreg.scid  }
0x8b: {  	s0 =	sand.u32 $0x1, s1  }
0x8c: {  	s18 =	sshll.u32 s0, $0xA;
	s2 =	sadd.s32 s3, s2  }
0x8d: {  	s2 =	sadd.s32 s2, s18  }
0x8e: {  	[smem:$0x3FC4] =	sst s2  }
0x8f: {  	_ = 	snop  }
0x90: {  	s2 =	sld [smem:$0x3FC9]  }
0x91: {  	s19 =	sld [smem:$0x3FC8]  }
0x92: {  	s4 =	sld [smem:$0x3FC7]  }
0x93: {  	s5 =	sld [smem:$0x3FC6]  }
0x94: {  	s6 =	sld [smem:$0x3FD0];
	(tm) =	ssettm $0x1  }
0x95: {  	s7 =	sld [smem:$0x3FFB];
	_ =	sdelay $0x3  }
0x96: {  	_ =	strace s7  }
0x97: {  	s7 =	sld [smem:$0x3FFC];
	_ =	sdelay $0x3  }
0x98: {  	_ =	strace s7  }
0x99: {  	s7 =	sld [smem:$0x3FFD];
	_ =	sdelay $0x3  }
0x9a: {  	_ =	strace s7  }
0x9b: {  	_ =	strace $0x8FFFFFFF  }
0x9c: {  	s20 =	sld [smem:$0x3FDB];
	_ =	sdelay $0x1  }
0x9d: {  	s8 =	simm.s32 $_scs_section_size  }
0x9e: {  	s9 =	simm.s32 $_size__tile_overlayer_lowered;
	s10 =	simm.s32 $_tile_overlayer_lowered  }
0x9f: {  	s23 =	simm.s32 $0x1BFF;
	s22 =	sshll.u32 s10, $0x1;
	s7 =	sadd.s32 s8, s20  }
0xa0: {  	s11 =	simm.s32 $0x0;
	s21 =	sshll.u32 s9, $0x1;
	s9 =	sadd.s32 s22, s7  }
0xa1: {  	[timem:s11], [sflag:s23] =	dma.local [hbm:s9], s21  }
0xa2: {  	_ =	swait.ge [sflag:s23], s21  }
0xa3: {  	s8 =	ssub.s32 $0x0, s21;
	[sflag:s23] =	ssyncset.done $0x0  }
0xa4: {  	[sflag:s23] =	ssyncadd.s32 s8;
	_ =	sdelay $0x1  }
0xa5: {  	s24 =	simm.s32 $0x1B8B  }
0xa6: {  	_ =	swait.ge [sflag:s24], $0x1  }
0xa7: {  	[sflag:s24] =	ssyncset.done $0x0  }
0xa8: {  	s25 =	simm.s32 $0x1B8E;
	[sflag:s24] =	ssyncadd.s32 $0xFFFFFFFF  }
0xa9: {  	s26 =	simm.s32 $execute0_lowered;
	[smem:$0x3FD2] =	sst s25  }
0xaa: {  	s8 =	sshll.u32 s26, $0x1;
	_ =	strace $0x80000046;
	[dreg:$0x1] =	wrdreg $0xFFFFFFFF  }
0xab: {  	s28 =	simm.s32 $_size_execute0_lowered;
	s7 =	sadd.s32 s7, s8;
	[dreg:$0x0] =	wrdreg $0x0  }
0xac: {  	s8 =	sshll.u32 s28, $0x1;
	[dreg:$0x2] =	wrdreg s7  }
0xad: {  	[dreg:$0x3] =	wrdreg s8  }
0xae: {  	[dreg:$0x4] =	wrdreg $0xC0  }
0xaf: {  	_ =	task [dreg:s11], $0x5FFFF  }
0xb0: {  	[dreg:$0x1] =	wrdreg $0xFFFFFFFF  }
0xb1: {  	[dreg:$0x0] =	wrdreg $0x60  }
0xb2: {  	[dreg:$0x2] =	wrdreg s2  }
0xb3: {  	[dreg:$0x3] =	wrdreg s19  }
0xb4: {  	[dreg:$0x4] =	wrdreg s4  }
0xb5: {  	[dreg:$0x5] =	wrdreg s5  }
0xb6: {  	[dreg:$0x6] =	wrdreg s6  }
0xb7: {  	[dreg:$0x7] =	wrdreg $0x9  }
0xb8: {  	_ =	task.clear_ibuf [dreg:s11], $0x8FFFF;
	_ =	strace $0x90000046  }
0xb9: {  	s29 =	simm.s32 $0x9;
	_ =	strace $0x80000048  }
0xba: {  	_ =	swait.ge [sflag:s29], $0x1  }
0xbb: {  	[sflag:s29] =	ssyncadd.s32 $0xFFFFFFFF  }
0xbc: {  	_ =	strace $0x90000048  }
0xbd: {  	_ =	sfence  }
0xbe: {  	s30 =	sld [smem:$0x0];
	_ =	sdelay $0x2  }
0xbf: {  	s31 =	sshll.u32 s1, $0xD;
	s1 =	sshrl.u32 s1, $0x2  }
0xc0: {  	s3 =	sand.u32 $0x4000, s31;
	s1 =	sadd.s32 s1, s30  }
0xc1: {  	s0 =	sor.u32 s3, s0;
	s1 =	sshll.u32 s1, $0x11  }
0xc2: {  	s0 =	sor.u32 s1, s0  }
0xc3: {  	s0 =	sadd.s32 $0x8F2B, s0  }
0xc4: {  	[sflag:s0] =	ssyncadd.remote.s32 $0x1  }
0xc5: {  	_ =	sfence.sel $0xFFFF  }
0xc6: {  	[dreg:$0x0] =	wrdreg $0xFFFFFFFF;
	(pc) =	sbr.abs _section_cstart, $3  }
0xc7: {  	[dreg:$0x1] =	wrdreg $0xFFFFFFFF  }
0xc8: {  	_ =	task.clear_ibuf [dreg:s11], $0x2FFFF;
	_ =	strace $0x9FFFFFFF  }
0xc9: {  	(tm) =	ssettm $0x7FFFFFFF  }
tec
execute0_lowered:
.L_overlay_start_1:
0x0: {  	(tag) =	ssettag $0x1  }
0x1: {  	s0 =	rddreg [dreg:$0x0]  }
0x2: {  	s1 =	rddreg [dreg:$0x1]  }
0x3: {  	s2 =	rddreg [dreg:$0x4];
	s3 =	srdreg.scid  }
0x4: {  	s7 =	simm.s32 $0x0;
	s4 =	stileid.u32;
	s3 =	sand.u32 $0x1, s3  }
0x5: {  	s6 =	sshll.u32 s4, $0xA;
	s5 =	ssub.s32 $0x2, s3;
	s3 =	sshll.u32 s3, $0x9  }
0x6: {  	[smem:$0x7FF] =	sst s7;
	s3 =	sor.u32 s3, s6  }
0x7: {  	_ =	strace $0x80000047;
	s6 =	sshrl.u32 s3, $0x3;
	s30 =	sadd.s32 s2, s3  }
0x8: {  	s28 =	sshrl.u32 s5, $0x1;
	s0 =	sadd.s32 s0, s6;
	[dreg:$0x8] =	wrdreg s30  }
0x9: {  	s5 =	ssub.s32 s5, s28;
	s29 =	sadd.s32 s1, s6;
	[dreg:$0x6] =	wrdreg s0  }
0xa: {  	s9 =	simm.s32 $0x400;
	s31 =	smax.u32 s5, $0x1;
	[dreg:$0x7] =	wrdreg s29  }
0xb: {  	s10 =	simm.s32 $0x4400;
	s2 =	simm.s32 $0x0;
	[dreg:$0x9] =	wrdreg s31  }
.LBB2_1:
0xc: {  	[dreg:$0xa] =	wrdreg s2  }
0xd: {  	s0 =	rddreg [dreg:$0x2];
	s4 =	simm.s32 $0x0  }
0xe: {  	[tilespmem:s9], [sflag:$0x1] =	stream.linear.gather [hbm4b:s0+s4], $0x4000, $0x38;
	[tilespmem:$0x9400] =	vst v63  }
0xf: {  	s5 =	rddreg [dreg:$0x3]  }
0x10: {  	[tilespmem:s10], [sflag:$0x2] =	stream.linear.gather [hbm4b:s5+s4], $0x2000, $0x38;
	[tilespmem:$0x9400] =	vst v63  }
0x11: {  	s6 =	rddreg [dreg:$0x6]  }
0x12: {  	[tilespmem:s4], [sflag:$0x3] =	stream.linear.gather [hbm4b:s6+s4], $0x200, $0x38;
	[tilespmem:$0x9400] =	vst v63  }
0x13: {  	s7 =	rddreg [dreg:$0x7];
	s1 =	simm.s32 $0x200;
	s8 =	simm.s32 $0x3  }
0x14: {  	[tilespmem:s1], [sflag:$0x3] =	stream.linear.gather [hbm4b:s7+s4], $0x200, $0x38;
	[tilespmem:$0x9400] =	vst v63  }
0x15: {  	_ =	swait.ge [sflag:s8], $0x200  }
0x16: {  	[sflag:s8] =	ssyncset.done $0x0  }
0x17: {  	[sflag:s8] =	ssyncadd.s32 $0xFFFFFE00  }
0x18: {  	_ =	swait.ge [sflag:s8], $0x200  }
0x19: {  	[sflag:s8] =	ssyncset.done $0x0  }
0x1a: {  	s11 =	simm.s32 $0x1;
	[sflag:s8] =	ssyncadd.s32 $0xFFFFFE00  }
0x1b: {  	s3 =	sand.u32 $0x60, s4;
	_ =	swait.ge [sflag:s11], $0x4000  }
0x1c: {  	s12 =	sand.u32 $0x180, s4;
	s1 =	sor.u32 $0x10, s3;
	[sflag:s11] =	ssyncset.done $0x0  }
0x1d: {  	s0 =	sor.u32 s1, s12;
	[sflag:s11] =	ssyncadd.s32 $0xFFFFC000  }
0x1e: {  	v0 =	vld [tilespmem:s0+$0x0];
	_ =	sdelay $0x2  }
0x1f: {  	v1 =	vld [tilespmem:s4+$0x0];
	_ =	sdelay $0x1  }
0x20: {  	v2 =	vshll.u32 v0, $0x3  }
0x21: {  	v0 =	vand.u32 $0x7F, v0;
	v2 =	vand.u32 $0xFFFFFC00, v2  }
0x22: {  	v7 =	vor.u32 v0, v2  }
0x23: {  	v0 =	vshll.u32 v1, $0x3  }
0x24: {  	v1 =	vand.u32 $0x7F, v1;
	v0 =	vand.u32 $0xFFFFFC00, v0  }
0x25: {  	v2 =	vor.u32 v1, v0;
	_ =	sdelay $0x1  }
0x26: {  	v0 =	vld.idx.msk [tilespmem:v7+s9+$0x0], $0xffff  }
0x27: {  	v1 =	vor.u32 $0x80, v7  }
0x28: {  	s2 =	sand.u32 $0xC00, s4  }
0x29: {  	s13 =	sadd.s32 $0x6400, s2;
	v3 =	vld.idx.msk [tilespmem:v2+s9+$0x0], $0xffff  }
0x2a: {  	s8 =	sor.u32 s1, s13;
	v4 =	vor.u32 $0x80, v2  }
0x2b: {  	[tilespmem:s8+$0x0] =	vst v0  }
0x2c: {  	v0 =	vld.idx.msk [tilespmem:v1+s9+$0x0], $0xffff  }
0x2d: {  	s7 =	sor.u32 s3, s13;
	v1 =	vor.u32 $0x100, v7  }
0x2e: {  	[tilespmem:s7+$0x0] =	vst v3  }
0x2f: {  	v3 =	vld.idx.msk [tilespmem:v4+s9+$0x0], $0xffff  }
0x30: {  	v4 =	vor.u32 $0x100, v2  }
0x31: {  	[tilespmem:s8+$0x80] =	vst v0  }
0x32: {  	v0 =	vld.idx.msk [tilespmem:v1+s9+$0x0], $0xffff  }
0x33: {  	s5 =	simm.s32 $0x20;
	v1 =	vor.u32 $0x180, v7  }
0x34: {  	s21 =	sand.u32 $0x60, s5;
	[tilespmem:s7+$0x80] =	vst v3  }
0x35: {  	s14 =	sand.u32 $0x180, s5;
	s20 =	sor.u32 $0x10, s21;
	v3 =	vld.idx.msk [tilespmem:v4+s9+$0x0], $0xffff  }
0x36: {  	s0 =	sor.u32 s20, s14;
	v4 =	vor.u32 $0x180, v2  }
0x37: {  	v5 =	vld [tilespmem:s0+$0x0];
	[tilespmem:s8+$0x100] =	vst v0  }
0x38: {  	v0 =	vld.idx.msk [tilespmem:v1+s9+$0x0], $0xffff  }
0x39: {  	v1 =	vor.u32 $0x200, v7  }
0x3a: {  	v6 =	vld [tilespmem:s5+$0x0];
	[tilespmem:s7+$0x100] =	vst v3  }
0x3b: {  	v3 =	vld.idx.msk [tilespmem:v4+s9+$0x0], $0xffff  }
0x3c: {  	v8 =	vor.u32 $0x200, v2;
	v4 =	vshll.u32 v5, $0x3  }
0x3d: {  	v4 =	vand.u32 $0xFFFFFC00, v4;
	[tilespmem:s8+$0x180] =	vst v0;
	v0 =	vand.u32 $0x7F, v5  }
0x3e: {  	v5 =	vld.idx.msk [tilespmem:v1+s9+$0x0], $0xffff;
	v0 =	vor.u32 v0, v4  }
0x3f: {  	v1 =	vshll.u32 v6, $0x3;
	v4 =	vor.u32 $0x280, v7  }
0x40: {  	v6 =	vand.u32 $0x7F, v6;
	v1 =	vand.u32 $0xFFFFFC00, v1;
	[tilespmem:s7+$0x180] =	vst v3  }
0x41: {  	v1 =	vor.u32 v6, v1;
	v3 =	vld.idx.msk [tilespmem:v8+s9+$0x0], $0xffff  }
0x42: {  	v6 =	vor.u32 $0x280, v2  }
0x43: {  	v8 =	vld.idx.msk [tilespmem:v0+s9+$0x0], $0xffff;
	[tilespmem:s8+$0x200] =	vst v5  }
0x44: {  	s6 =	simm.s32 $0x100;
	v5 =	vor.u32 $0x80, v0;
	v4 =	vld.idx.msk [tilespmem:v4+s9+$0x0], $0xffff  }
0x45: {  	s22 =	sand.u32 $0xC00, s6;
	v9 =	vor.u32 $0x300, v7  }
0x46: {  	s11 =	sadd.s32 $0x6400, s22;
	v10 =	vld.idx.msk [tilespmem:v1+s9+$0x0], $0xffff;
	[tilespmem:s7+$0x200] =	vst v3  }
0x47: {  	s0 =	sor.u32 s20, s11;
	v3 =	vld.idx.msk [tilespmem:v6+s9+$0x0], $0xffff;
	v6 =	vor.u32 $0x80, v1  }
0x48: {  	[tilespmem:s0+$0x0] =	vst v8;
	v8 =	vor.u32 $0x300, v2  }
0x49: {  	v5 =	vld.idx.msk [tilespmem:v5+s9+$0x0], $0xffff;
	[tilespmem:s8+$0x280] =	vst v4  }
0x4a: {  	s15 =	sand.u32 $0x3, s4;
	s8 =	sor.u32 s21, s11;
	v4 =	vld.idx.msk [tilespmem:v9+s9+$0x0], $0xffff;
	v9 =	vor.u32 $0x100, v0  }
0x4b: {  	s11 =	sshll.u32 s15, $0x5;
	[tilespmem:s8+$0x0] =	vst v10;
	v10 =	vor.u32 $0x380, v7  }
0x4c: {  	s16 =	sadd.s32 $0x0, s11;
	v6 =	vld.idx.msk [tilespmem:v6+s9+$0x0], $0xffff;
	[tilespmem:s7+$0x280] =	vst v3  }
0x4d: {  	s13 =	sadd.s32 $0x10, s16;
	v3 =	vld.idx.msk [tilespmem:v8+s9+$0x0], $0xffff;
	v8 =	vor.u32 $0x100, v1  }
0x4e: {  	s17 =	sor.u32 $0x300, s13;
	[tilespmem:s0+$0x80] =	vst v5;
	v5 =	vor.u32 $0x380, v2  }
0x4f: {  	v9 =	vld.idx.msk [tilespmem:v9+s9+$0x0], $0xffff;
	[tilespmem:s17+$0x6400] =	vst v4  }
0x50: {  	s11 =	simm.s32 $0x40;
	v4 =	vld.idx.msk [tilespmem:v10+s9+$0x0], $0xffff;
	v10 =	vor.u32 $0x180, v0  }
0x51: {  	s7 =	sor.u32 $0x300, s16;
	s23 =	sand.u32 $0x60, s11;
	[tilespmem:s8+$0x80] =	vst v6;
	v6 =	vadd.s32 $0x2000, v7  }
0x52: {  	s14 =	sand.u32 $0x180, s11;
	s24 =	sor.u32 $0x10, s23;
	v8 =	vld.idx.msk [tilespmem:v8+s9+$0x0], $0xffff;
	[tilespmem:s7+$0x6400] =	vst v3  }
0x53: {  	s18 =	sor.u32 s24, s14;
	v3 =	vld.idx.msk [tilespmem:v5+s9+$0x0], $0xffff;
	v5 =	vor.u32 $0x180, v1  }
0x54: {  	s19 =	sor.u32 $0x380, s13;
	v11 =	vld [tilespmem:s18+$0x0];
	[tilespmem:s0+$0x100] =	vst v9;
	v9 =	vadd.s32 $0x2000, v2  }
0x55: {  	v10 =	vld.idx.msk [tilespmem:v10+s9+$0x0], $0xffff;
	[tilespmem:s19+$0x6400] =	vst v4  }
0x56: {  	s25 =	sor.u32 s4, s4;
	v4 =	vld.idx.msk [tilespmem:v6+s9+$0x0], $0xffff;
	v6 =	vor.u32 $0x200, v0  }
0x57: {  	v12 =	vld [tilespmem:s11+$0x0];
	s7 =	sor.u32 $0x380, s25;
	[tilespmem:s8+$0x100] =	vst v8;
	v8 =	vadd.s32 $0x2080, v7  }
0x58: {  	v5 =	vld.idx.msk [tilespmem:v5+s9+$0x0], $0xffff;
	[tilespmem:s7+$0x6400] =	vst v3  }
0x59: {  	s26 =	sadd.s32 $0x7400, s2;
	v13 =	vor.u32 $0x200, v1;
	v3 =	vshll.u32 v11, $0x3;
	v9 =	vld.idx.msk [tilespmem:v9+s9+$0x0], $0xffff  }
0x5a: {  	s4 =	sor.u32 s1, s26;
	v3 =	vand.u32 $0xFFFFFC00, v3;
	[tilespmem:s0+$0x180] =	vst v10;
	v10 =	vand.u32 $0x7F, v11;
	v11 =	vadd.s32 $0x2080, v2  }
0x5b: {  	v6 =	vld.idx.msk [tilespmem:v6+s9+$0x0], $0xffff;
	[tilespmem:s4+$0x0] =	vst v4;
	v3 =	vor.u32 v10, v3  }
0x5c: {  	v4 =	vshll.u32 v12, $0x3;
	v10 =	vor.u32 $0x280, v0;
	v8 =	vld.idx.msk [tilespmem:v8+s9+$0x0], $0xffff  }
0x5d: {  	s7 =	sor.u32 s3, s26;
	v12 =	vand.u32 $0x7F, v12;
	v4 =	vand.u32 $0xFFFFFC00, v4;
	[tilespmem:s8+$0x180] =	vst v5;
	v5 =	vadd.s32 $0x2100, v7  }
0x5e: {  	v4 =	vor.u32 v12, v4;
	v12 =	vld.idx.msk [tilespmem:v13+s9+$0x0], $0xffff;
	[tilespmem:s7+$0x0] =	vst v9  }
0x5f: {  	s12 =	sadd.s32 $0x7480, s2;
	v9 =	vld.idx.msk [tilespmem:v11+s9+$0x0], $0xffff;
	v11 =	vor.u32 $0x280, v1  }
0x60: {  	s14 =	sor.u32 s1, s12;
	v13 =	vld.idx.msk [tilespmem:v3+s9+$0x0], $0xffff;
	[tilespmem:s0+$0x200] =	vst v6;
	v6 =	vadd.s32 $0x2100, v2  }
0x61: {  	s29 =	simm.s32 $0x200;
	v10 =	vld.idx.msk [tilespmem:v10+s9+$0x0], $0xffff;
	[tilespmem:s14+$0x0] =	vst v8;
	v8 =	vor.u32 $0x80, v3  }
0x62: {  	v14 =	vor.u32 $0x300, v0;
	s25 =	sand.u32 $0xC00, s29;
	v5 =	vld.idx.msk [tilespmem:v5+s9+$0x0], $0xffff  }
0x63: {  	s15 =	sor.u32 s3, s12;
	s16 =	sadd.s32 $0x6400, s25;
	v15 =	vld.idx.msk [tilespmem:v4+s9+$0x0], $0xffff;
	[tilespmem:s8+$0x200] =	vst v12  }
0x64: {  	s7 =	sor.u32 s24, s16;
	v12 =	vadd.s32 $0x2180, v7;
	v11 =	vld.idx.msk [tilespmem:v11+s9+$0x0], $0xffff;
	[tilespmem:s15+$0x0] =	vst v9  }
0x65: {  	v9 =	vor.u32 $0x80, v4;
	[tilespmem:s7+$0x0] =	vst v13;
	v6 =	vld.idx.msk [tilespmem:v6+s9+$0x0], $0xffff  }
0x66: {  	s17 =	sadd.s32 $0x7500, s2;
	v13 =	vor.u32 $0x300, v1;
	v8 =	vld.idx.msk [tilespmem:v8+s9+$0x0], $0xffff;
	[tilespmem:s0+$0x280] =	vst v10  }
0x67: {  	s31 =	simm.s32 $0x60;
	s18 =	sor.u32 s1, s17;
	s15 =	simm.s32 $0x1;
	v10 =	vld.idx.msk [tilespmem:v14+s9+$0x0], $0xffff;
	v14 =	vadd.s32 $0x2180, v2  }
0x68: {  	v16 =	vld [tilespmem:s31+$0x0];
	s19 =	sand.u32 $0x3, s15;
	s0 =	sor.u32 s23, s16;
	[tilespmem:s18+$0x0] =	vst v5;
	v5 =	vor.u32 $0x100, v3  }
0x69: {  	s14 =	sshll.u32 s19, $0x5;
	[tilespmem:s0+$0x0] =	vst v15;
	v15 =	vor.u32 $0x380, v0;
	v12 =	vld.idx.msk [tilespmem:v12+s9+$0x0], $0xffff  }
0x6a: {  	s13 =	sor.u32 s3, s17;
	s26 =	sadd.s32 $0x100, s14;
	v9 =	vld.idx.msk [tilespmem:v9+s9+$0x0], $0xffff;
	[tilespmem:s8+$0x280] =	vst v11;
	v11 =	vadd.s32 $0x2200, v7  }
0x6b: {  	s14 =	sadd.s32 $0x10, s26;
	v13 =	vld.idx.msk [tilespmem:v13+s9+$0x0], $0xffff;
	[tilespmem:s13+$0x0] =	vst v6  }
0x6c: {  	s15 =	sadd.s32 $0x7580, s2;
	s4 =	sor.u32 $0x300, s14;
	v6 =	vor.u32 $0x100, v4;
	[tilespmem:s7+$0x80] =	vst v8;
	v8 =	vld.idx.msk [tilespmem:v14+s9+$0x0], $0xffff  }
0x6d: {  	s28 =	sand.u32 $0x60, s31;
	s12 =	sor.u32 s1, s15;
	v14 =	vor.u32 $0x380, v1;
	v5 =	vld.idx.msk [tilespmem:v5+s9+$0x0], $0xffff;
	[tilespmem:s4+$0x6400] =	vst v10  }
0x6e: {  	s16 =	sand.u32 $0x180, s31;
	s8 =	sor.u32 $0x300, s26;
	s26 =	sor.u32 $0x10, s28;
	v10 =	vld.idx.msk [tilespmem:v15+s9+$0x0], $0xffff;
	[tilespmem:s12+$0x0] =	vst v12;
	v12 =	vor.u32 $0x180, v3  }
0x6f: {  	s17 =	sor.u32 s26, s16;
	v11 =	vld.idx.msk [tilespmem:v11+s9+$0x0], $0xffff;
	[tilespmem:s0+$0x80] =	vst v9;
	v9 =	vadd.s32 $0x2000, v0  }
0x70: {  	v18 =	vld [tilespmem:s17+$0x0];
	[tilespmem:s8+$0x6400] =	vst v13;
	v13 =	vadd.s32 $0x2280, v7  }
0x71: {  	v17 =	vadd.s32 $0x2200, v2;
	v15 =	vld.idx.msk [tilespmem:v6+s9+$0x0], $0xffff  }
0x72: {  	v19 =	vor.u32 $0x180, v4;
	s19 =	sadd.s32 $0x7600, s2;
	s18 =	sor.u32 $0x380, s14;
	v6 =	vshll.u32 v16, $0x3;
	v14 =	vld.idx.msk [tilespmem:v14+s9+$0x0], $0xffff;
	[tilespmem:s7+$0x100] =	vst v5  }
0x73: {  	s4 =	sor.u32 s1, s19;
	v6 =	vand.u32 $0xFFFFFC00, v6;
	v5 =	vand.u32 $0x7F, v16;
	v16 =	vadd.s32 $0x2000, v1;
	v12 =	vld.idx.msk [tilespmem:v12+s9+$0x0], $0xffff;
	[tilespmem:s18+$0x6400] =	vst v10  }
0x74: {  	s12 =	sor.u32 s3, s15;
	v6 =	vor.u32 v5, v6;
	v5 =	vld.idx.msk [tilespmem:v9+s9+$0x0], $0xffff;
	[tilespmem:s4+$0x0] =	vst v11  }
0x75: {  	s5 =	sor.u32 s6, s5;
	[tilespmem:s12+$0x0] =	vst v8;
	v9 =	vor.u32 $0x200, v3;
	v10 =	vld.idx.msk [tilespmem:v13+s9+$0x0], $0xffff  }
0x76: {  	s5 =	sor.u32 $0x380, s5;
	v11 =	vadd.s32 $0x2080, v0;
	[tilespmem:s0+$0x100] =	vst v15;
	v13 =	vld.idx.msk [tilespmem:v17+s9+$0x0], $0xffff  }
0x77: {  	v15 =	vld.idx.msk [tilespmem:v19+s9+$0x0], $0xffff;
	[tilespmem:s5+$0x6400] =	vst v14;
	v14 =	vadd.s32 $0x2300, v7  }
0x78: {  	s15 =	sadd.s32 $0x7400, s22;
	v17 =	vadd.s32 $0x2280, v2;
	v16 =	vld.idx.msk [tilespmem:v16+s9+$0x0], $0xffff  }
0x79: {  	v20 =	vor.u32 $0x200, v4;
	s17 =	sadd.s32 $0x7680, s2;
	s16 =	sor.u32 s20, s15;
	v19 =	vshll.u32 v18, $0x3;
	v8 =	vld.idx.msk [tilespmem:v6+s9+$0x0], $0xffff;
	[tilespmem:s7+$0x180] =	vst v12  }
0x7a: {  	s18 =	sor.u32 s1, s17;
	v12 =	vand.u32 $0x7F, v18;
	v18 =	vand.u32 $0xFFFFFC00, v19;
	v19 =	vadd.s32 $0x2080, v1;
	v9 =	vld.idx.msk [tilespmem:v9+s9+$0x0], $0xffff;
	[tilespmem:s16+$0x0] =	vst v5  }
0x7b: {  	s13 =	sor.u32 s3, s19;
	v5 =	vor.u32 v12, v18;
	v11 =	vld.idx.msk [tilespmem:v11+s9+$0x0], $0xffff;
	[tilespmem:s18+$0x0] =	vst v10  }
0x7c: {  	v10 =	vor.u32 $0x280, v3;
	[tilespmem:s13+$0x0] =	vst v13;
	v12 =	vld.idx.msk [tilespmem:v14+s9+$0x0], $0xffff  }
0x7d: {  	s5 =	sor.u32 s21, s15;
	v13 =	vadd.s32 $0x2100, v0;
	[tilespmem:s0+$0x180] =	vst v15;
	v14 =	vld.idx.msk [tilespmem:v17+s9+$0x0], $0xffff  }
0x7e: {  	v7 =	vadd.s32 $0x2380, v7;
	v15 =	vld.idx.msk [tilespmem:v20+s9+$0x0], $0xffff;
	[tilespmem:s5+$0x0] =	vst v16  }
0x7f: {  	s19 =	sadd.s32 $0x7480, s22;
	v17 =	vadd.s32 $0x2300, v2;
	v16 =	vld.idx.msk [tilespmem:v19+s9+$0x0], $0xffff  }
0x80: {  	s12 =	sadd.s32 $0x7700, s2;
	s4 =	sor.u32 s20, s19;
	v18 =	vld.idx.msk [tilespmem:v5+s9+$0x0], $0xffff;
	v19 =	vor.u32 $0x280, v4;
	[tilespmem:s7+$0x200] =	vst v9  }
0x81: {  	s16 =	sor.u32 s1, s12;
	v9 =	vld.idx.msk [tilespmem:v10+s9+$0x0], $0xffff;
	v10 =	vadd.s32 $0x2100, v1;
	[tilespmem:s4+$0x0] =	vst v11  }
0x82: {  	s8 =	sor.u32 s3, s17;
	s15 =	simm.s32 $0x300;
	v63 =	vor.u32 $0x80, v5;
	v21 =	vld.idx.msk [tilespmem:v13+s9+$0x0], $0xffff;
	[tilespmem:s16+$0x0] =	vst v12  }
0x83: {  	s17 =	sor.u32 s29, s11;
	s30 =	sand.u32 $0xC00, s15;
	v12 =	vor.u32 $0x300, v3;
	[tilespmem:s8+$0x0] =	vst v14;
	v22 =	vld.idx.msk [tilespmem:v7+s9+$0x0], $0xffff  }
0x84: {  	v23 =	vadd.s32 $0x2180, v0;
	s11 =	sor.u32 $0x380, s17;
	s18 =	sadd.s32 $0x6400, s30;
	s5 =	sor.u32 s21, s19;
	[tilespmem:s0+$0x200] =	vst v15;
	v7 =	vld.idx.msk [tilespmem:v17+s9+$0x0], $0xffff  }
0x85: {  	s17 =	simm.s32 $0x6;
	s14 =	sor.u32 s26, s18;
	s4 =	sadd.s32 $0x7500, s22;
	v13 =	vld.idx.msk [tilespmem:v19+s9+$0x0], $0xffff;
	[tilespmem:s5+$0x0] =	vst v16  }
0x86: {  	s18 =	sor.u32 s28, s18;
	s19 =	sor.u32 s15, s31;
	s13 =	sor.u32 s21, s4;
	[tilespmem:s14+$0x0] =	vst v18;
	v16 =	vor.u32 $0x80, v6;
	v11 =	vld.idx.msk [tilespmem:v10+s9+$0x0], $0xffff  }
0x87: {  	s16 =	sor.u32 s3, s12;
	s12 =	sadd.s32 $0x7780, s2;
	v14 =	vor.u32 $0x300, v4;
	v15 =	vld.idx.msk [tilespmem:v63+s9+$0x0], $0xffff;
	[tilespmem:s7+$0x280] =	vst v9;
	s7 =	sor.u32 s20, s4  }
0x88: {  	s2 =	simm.s32 $0x2;
	s5 =	sor.u32 $0x380, s19;
	s19 =	sor.u32 s1, s12;
	v9 =	vadd.s32 $0x2180, v1;
	[tilespmem:s7+$0x0] =	vst v21;
	v12 =	vld.idx.msk [tilespmem:v12+s9+$0x0], $0xffff  }
0x89: {  	v17 =	vor.u32 $0x100, v5;
	s1 =	sor.u32 s3, s12;
	s3 =	simm.s32 $0x80;
	s7 =	sand.u32 $0x3, s2;
	v10 =	vld.idx.msk [tilespmem:v23+s9+$0x0], $0xffff;
	[tilespmem:s19+$0x0] =	vst v22  }
.LBB2_2:
0x8a: {  	v18 =	vld [tilespmem:s3+$0x0];
	[tilespmem:s18+$0x0] =	vst v8;
	s7 =	sshll.u32 s7, $0x5;
	v8 =	vor.u32 $0x380, v3;
	s6 =	smov.u32 s23;
	s23 =	smov.u32 s28  }
0x8b: {  	v16 =	vld.idx.msk [tilespmem:v16+s9+$0x0], $0xffff;
	[tilespmem:s0+$0x280] =	vst v13;
	s0 =	sadd.s32 s7, s29;
	v13 =	vadd.s32 $0x2200, v0;
	s7 =	smov.u32 s20;
	s20 =	smov.u32 s24  }
0x8c: {  	s24 =	smov.u32 s26;
	v14 =	vld.idx.msk [tilespmem:v14+s9+$0x0], $0xffff;
	s12 =	sor.u32 $0x300, s0;
	s4 =	sadd.s32 $0x10, s0;
	[tilespmem:s13+$0x0] =	vst v11;
	v11 =	vadd.s32 $0x2380, v2;
	v2 =	vmovc v1;
	v1 =	vmov v4;
	v4 =	vmov v6  }
0x8d: {  	s8 =	sadd.s32 $0x7580, s22;
	s29 =	smov.u32 s15;
	v6 =	vor.u32 $0x100, v4;
	[tilespmem:s14+$0x80] =	vst v15;
	s0 =	sor.u32 $0x300, s4;
	v9 =	vld.idx.msk [tilespmem:v9+s9+$0x0], $0xffff  }
0x8e: {  	s19 =	sor.u32 s21, s8;
	v15 =	vld.idx.msk [tilespmem:v17+s9+$0x0], $0xffff;
	v17 =	vor.u32 $0x380, v1;
	[tilespmem:s0+$0x6400] =	vst v12;
	s0 =	sor.u32 s7, s8;
	s8 =	smov.u32 s22  }
0x8f: {  	s22 =	smov.u32 s25;
	s25 =	smov.u32 s30;
	v8 =	vld.idx.msk [tilespmem:v8+s9+$0x0], $0xffff;
	[tilespmem:s0+$0x0] =	vst v10;
	s0 =	smov.u32 s18  }
0x90: {  	s31 =	sadd.s32 $0x20, s31;
	s13 =	smov.u32 s14;
	v10 =	vor.u32 $0x180, v5;
	v12 =	vld.idx.msk [tilespmem:v13+s9+$0x0], $0xffff;
	[tilespmem:s16+$0x0] =	vst v7  }
0x91: {  	s28 =	sand.u32 $0x60, s31;
	v7 =	vadd.s32 $0x2000, v3;
	[tilespmem:s0+$0x80] =	vst v16;
	v11 =	vld.idx.msk [tilespmem:v11+s9+$0x0], $0xffff  }
0x92: {  	s26 =	sor.u32 $0x10, s28;
	s14 =	sand.u32 $0x180, s31;
	v13 =	vld.idx.msk [tilespmem:v6+s9+$0x0], $0xffff;
	[tilespmem:s12+$0x6400] =	vst v14;
	v14 =	vadd.s32 $0x2280, v0  }
0x93: {  	s17 =	sadd.s32 $0x2, s17;
	s12 =	sor.u32 s26, s14;
	v16 =	vld.idx.msk [tilespmem:v17+s9+$0x0], $0xffff;
	[tilespmem:s19+$0x0] =	vst v9;
	v9 =	vadd.s32 $0x2200, v2  }
0x94: {  	p0 =	slt.u32 s17, $0x1E;
	v19 =	vor.u32 $0x180, v4;
	s4 =	sor.u32 $0x380, s4;
	v6 =	vshll.u32 v18, $0x3;
	v17 =	vld [tilespmem:s12+$0x0];
	[tilespmem:s13+$0x100] =	vst v15;
	s12 =	sadd.s32 $0x7600, s8  }
0x95: {  	v6 =	vand.u32 $0xFFFFFC00, v6;
	v15 =	vand.u32 $0x7F, v18;
	v18 =	vadd.s32 $0x2000, v1;
	v10 =	vld.idx.msk [tilespmem:v10+s9+$0x0], $0xffff;
	[tilespmem:s4+$0x6400] =	vst v8;
	s4 =	sor.u32 s21, s12;
	s12 =	sor.u32 s7, s12  }
0x96: {  	v6 =	vor.u32 v15, v6;
	v7 =	vld.idx.msk [tilespmem:v7+s9+$0x0], $0xffff;
	[tilespmem:s12+$0x0] =	vst v12  }
0x97: {  	v12 =	vor.u32 $0x200, v5;
	v14 =	vld.idx.msk [tilespmem:v14+s9+$0x0], $0xffff;
	[tilespmem:s1+$0x0] =	vst v11  }
0x98: {  	v11 =	vadd.s32 $0x2080, v3;
	[tilespmem:s0+$0x100] =	vst v13;
	v9 =	vld.idx.msk [tilespmem:v9+s9+$0x0], $0xffff  }
0x99: {  	v15 =	vadd.s32 $0x2300, v0;
	v13 =	vld.idx.msk [tilespmem:v19+s9+$0x0], $0xffff;
	[tilespmem:s11+$0x6400] =	vst v16;
	s11 =	smov.u32 s5  }
0x9a: {  	s1 =	sadd.s32 $0x7400, s22;
	v16 =	vld.idx.msk [tilespmem:v18+s9+$0x0], $0xffff;
	v18 =	vadd.s32 $0x2280, v2  }
0x9b: {  	v20 =	vor.u32 $0x200, v4;
	s12 =	sadd.s32 $0x7680, s8;
	v19 =	vshll.u32 v17, $0x3;
	s5 =	sor.u32 s6, s1;
	s1 =	sor.u32 s20, s1;
	v8 =	vld.idx.msk [tilespmem:v6+s9+$0x0], $0xffff;
	[tilespmem:s13+$0x180] =	vst v10  }
0x9c: {  	v10 =	vand.u32 $0x7F, v17;
	v17 =	vand.u32 $0xFFFFFC00, v19;
	v19 =	vadd.s32 $0x2080, v1;
	v12 =	vld.idx.msk [tilespmem:v12+s9+$0x0], $0xffff;
	[tilespmem:s1+$0x0] =	vst v7;
	s1 =	sor.u32 s21, s12;
	s12 =	sor.u32 s7, s12  }
0x9d: {  	v7 =	vor.u32 v10, v17;
	v10 =	vld.idx.msk [tilespmem:v11+s9+$0x0], $0xffff;
	[tilespmem:s12+$0x0] =	vst v14  }
0x9e: {  	v11 =	vor.u32 $0x280, v5;
	[tilespmem:s4+$0x0] =	vst v9;
	v9 =	vld.idx.msk [tilespmem:v15+s9+$0x0], $0xffff  }
0x9f: {  	[tilespmem:s0+$0x180] =	vst v13;
	v13 =	vadd.s32 $0x2100, v3;
	v14 =	vld.idx.msk [tilespmem:v18+s9+$0x0], $0xffff  }
0xa0: {  	v15 =	vld.idx.msk [tilespmem:v20+s9+$0x0], $0xffff;
	[tilespmem:s5+$0x0] =	vst v16;
	v16 =	vadd.s32 $0x2380, v0;
	v0 =	vmovc v3;
	v3 =	vmov v5;
	v5 =	vmov v7  }
0xa1: {  	s4 =	sadd.s32 $0x7480, s22;
	v18 =	vadd.s32 $0x2300, v2;
	v17 =	vld.idx.msk [tilespmem:v19+s9+$0x0], $0xffff  }
0xa2: {  	s12 =	sor.u32 s6, s4;
	s4 =	sor.u32 s20, s4;
	v20 =	vor.u32 $0x280, v4;
	s5 =	sadd.s32 $0x7700, s8;
	v19 =	vld.idx.msk [tilespmem:v7+s9+$0x0], $0xffff;
	[tilespmem:s13+$0x200] =	vst v12  }
0xa3: {  	s16 =	sor.u32 s21, s5;
	v12 =	vld.idx.msk [tilespmem:v11+s9+$0x0], $0xffff;
	v11 =	vadd.s32 $0x2100, v1;
	[tilespmem:s4+$0x0] =	vst v10;
	s4 =	sor.u32 s7, s5  }
0xa4: {  	s15 =	sadd.s32 $0x100, s15;
	v10 =	vor.u32 $0x80, v5;
	v21 =	vld.idx.msk [tilespmem:v13+s9+$0x0], $0xffff;
	[tilespmem:s4+$0x0] =	vst v9  }
0xa5: {  	s30 =	sand.u32 $0xC00, s15;
	s4 =	sor.u32 s15, s31;
	v9 =	vor.u32 $0x300, v3;
	[tilespmem:s1+$0x0] =	vst v14;
	v22 =	vld.idx.msk [tilespmem:v16+s9+$0x0], $0xffff  }
0xa6: {  	v23 =	vadd.s32 $0x2180, v0;
	s1 =	sadd.s32 $0x6400, s30;
	s5 =	sor.u32 $0x380, s4;
	[tilespmem:s0+$0x200] =	vst v15;
	v7 =	vld.idx.msk [tilespmem:v18+s9+$0x0], $0xffff  }
.Ltmp0:
0xa7: {  	s18 =	sor.u32 s28, s1;
	s14 =	sor.u32 s26, s1;
	v13 =	vld.idx.msk [tilespmem:v20+s9+$0x0], $0xffff;
	[tilespmem:s12+$0x0] =	vst v17;
	(pc) =	sbr.rel @p0 .LBB2_2-.Ltmp0, $4  }
0xa8: {  	v16 =	vor.u32 $0x80, v6;
	s1 =	sadd.s32 $0x7500, s22;
	[tilespmem:s14+$0x0] =	vst v19;
	v11 =	vld.idx.msk [tilespmem:v11+s9+$0x0], $0xffff  }
0xa9: {  	v14 =	vor.u32 $0x300, v4;
	s4 =	sadd.s32 $0x7780, s8;
	v15 =	vld.idx.msk [tilespmem:v10+s9+$0x0], $0xffff;
	[tilespmem:s13+$0x280] =	vst v12;
	s13 =	sor.u32 s6, s1;
	s1 =	sor.u32 s20, s1  }
0xaa: {  	s2 =	sadd.s32 $0x1, s2;
	v12 =	vld.idx.msk [tilespmem:v9+s9+$0x0], $0xffff;
	v9 =	vadd.s32 $0x2180, v1;
	[tilespmem:s1+$0x0] =	vst v21;
	s1 =	sor.u32 s21, s4;
	s4 =	sor.u32 s7, s4  }
0xab: {  	s3 =	sadd.s32 $0x20, s3;
	v17 =	vor.u32 $0x100, v5;
	s7 =	sand.u32 $0x3, s2;
	s21 =	smov.u32 s6;
	v10 =	vld.idx.msk [tilespmem:v23+s9+$0x0], $0xffff;
	[tilespmem:s4+$0x0] =	vst v22  }
0xac: {  	_ =	sdelay $0x2  }
0xad: {  	[tilespmem:s18+$0x0] =	vst v8  }
0xae: {  	v8 =	vld.idx.msk [tilespmem:v16+s9+$0x0], $0xffff  }
0xaf: {  	v46 =	vor.u32 $0x100, v6;
	_ =	sdelay $0x2  }
0xb0: {  	[tilespmem:s14+$0x80] =	vst v15  }
0xb1: {  	v15 =	vld.idx.msk [tilespmem:v17+s9+$0x0], $0xffff;
	[tilespmem:s18+$0x80] =	vst v8  }
0xb2: {  	v8 =	vor.u32 $0x180, v5;
	v16 =	vld.idx.msk [tilespmem:v46+s9+$0x0], $0xffff  }
0xb3: {  	v47 =	vor.u32 $0x180, v6;
	_ =	sdelay $0x2  }
0xb4: {  	[tilespmem:s14+$0x100] =	vst v15  }
0xb5: {  	v8 =	vld.idx.msk [tilespmem:v8+s9+$0x0], $0xffff;
	[tilespmem:s18+$0x100] =	vst v16  }
0xb6: {  	v15 =	vor.u32 $0x200, v5;
	v16 =	vld.idx.msk [tilespmem:v47+s9+$0x0], $0xffff  }
0xb7: {  	v48 =	vor.u32 $0x200, v6;
	_ =	sdelay $0x2  }
0xb8: {  	[tilespmem:s14+$0x180] =	vst v8  }
0xb9: {  	v8 =	vld.idx.msk [tilespmem:v15+s9+$0x0], $0xffff;
	[tilespmem:s18+$0x180] =	vst v16  }
0xba: {  	v15 =	vor.u32 $0x280, v5;
	v16 =	vld.idx.msk [tilespmem:v48+s9+$0x0], $0xffff  }
0xbb: {  	v49 =	vor.u32 $0x280, v6;
	_ =	sdelay $0x2  }
0xbc: {  	[tilespmem:s14+$0x200] =	vst v8  }
0xbd: {  	v8 =	vld.idx.msk [tilespmem:v15+s9+$0x0], $0xffff;
	[tilespmem:s18+$0x200] =	vst v16  }
0xbe: {  	v15 =	vor.u32 $0x300, v5;
	v16 =	vld.idx.msk [tilespmem:v49+s9+$0x0], $0xffff  }
0xbf: {  	v50 =	vor.u32 $0x300, v6;
	_ =	sdelay $0x1  }
0xc0: {  	[tilespmem:s0+$0x280] =	vst v13  }
0xc1: {  	s17 =	sshll.u32 s7, $0x5;
	v13 =	vor.u32 $0x380, v3;
	s2 =	sadd.s32 $0x1, s2;
	v14 =	vld.idx.msk [tilespmem:v14+s9+$0x0], $0xffff;
	[tilespmem:s14+$0x280] =	vst v8  }
0xc2: {  	s0 =	sadd.s32 s17, s29;
	s2 =	sand.u32 $0x3, s2;
	v8 =	vor.u32 $0x380, v4;
	v15 =	vld.idx.msk [tilespmem:v15+s9+$0x0], $0xffff;
	[tilespmem:s18+$0x280] =	vst v16  }
0xc3: {  	v51 =	vor.u32 $0x380, v5;
	s3 =	sadd.s32 $0x10, s0;
	s2 =	sshll.u32 s2, $0x5;
	v17 =	vld.idx.msk [tilespmem:v50+s9+$0x0], $0xffff  }
0xc4: {  	v18 =	vor.u32 $0x380, v6;
	s4 =	sor.u32 $0x300, s3;
	s2 =	sadd.s32 s2, s15  }
0xc5: {  	s0 =	sor.u32 $0x300, s0;
	[tilespmem:s4+$0x6400] =	vst v12;
	s18 =	sadd.s32 $0x10, s2  }
0xc6: {  	v12 =	vld.idx.msk [tilespmem:v13+s9+$0x0], $0xffff;
	[tilespmem:s0+$0x6400] =	vst v14;
	s19 =	sor.u32 $0x300, s18  }
0xc7: {  	v13 =	vadd.s32 $0x2000, v3;
	s2 =	sor.u32 $0x300, s2;
	v8 =	vld.idx.msk [tilespmem:v8+s9+$0x0], $0xffff;
	[tilespmem:s19+$0x6400] =	vst v15  }
0xc8: {  	v14 =	vadd.s32 $0x2000, v4;
	v15 =	vld.idx.msk [tilespmem:v51+s9+$0x0], $0xffff;
	[tilespmem:s2+$0x6400] =	vst v17  }
0xc9: {  	v52 =	vadd.s32 $0x2000, v5;
	v17 =	vld.idx.msk [tilespmem:v18+s9+$0x0], $0xffff  }
0xca: {  	v53 =	vadd.s32 $0x2000, v6;
	s29 =	sor.u32 $0x380, s3  }
0xcb: {  	[tilespmem:s29+$0x6400] =	vst v12  }
0xcc: {  	v12 =	vld.idx.msk [tilespmem:v13+s9+$0x0], $0xffff;
	s31 =	sor.u32 $0x380, s18;
	[tilespmem:s11+$0x6400] =	vst v8  }
0xcd: {  	v8 =	vadd.s32 $0x2080, v3;
	v13 =	vld.idx.msk [tilespmem:v14+s9+$0x0], $0xffff;
	[tilespmem:s31+$0x6400] =	vst v15  }
0xce: {  	v14 =	vadd.s32 $0x2080, v4;
	v15 =	vld.idx.msk [tilespmem:v52+s9+$0x0], $0xffff;
	[tilespmem:s5+$0x6400] =	vst v17  }
0xcf: {  	v54 =	vadd.s32 $0x2080, v5;
	s2 =	sadd.s32 $0x7400, s25;
	v17 =	vld.idx.msk [tilespmem:v53+s9+$0x0], $0xffff  }
0xd0: {  	v55 =	vadd.s32 $0x2080, v6;
	s3 =	sor.u32 s24, s2  }
0xd1: {  	s4 =	sadd.s32 $0x7400, s30;
	s0 =	sor.u32 s23, s2;
	[tilespmem:s3+$0x0] =	vst v12  }
0xd2: {  	s5 =	sor.u32 s26, s4;
	v8 =	vld.idx.msk [tilespmem:v8+s9+$0x0], $0xffff;
	[tilespmem:s0+$0x0] =	vst v13  }
0xd3: {  	s2 =	sor.u32 s28, s4;
	v12 =	vadd.s32 $0x2100, v3;
	v13 =	vld.idx.msk [tilespmem:v14+s9+$0x0], $0xffff;
	[tilespmem:s5+$0x0] =	vst v15  }
0xd4: {  	v14 =	vadd.s32 $0x2100, v4;
	v15 =	vld.idx.msk [tilespmem:v54+s9+$0x0], $0xffff;
	[tilespmem:s2+$0x0] =	vst v17  }
0xd5: {  	s6 =	sadd.s32 $0x7480, s25;
	v56 =	vadd.s32 $0x2100, v5;
	v17 =	vld.idx.msk [tilespmem:v55+s9+$0x0], $0xffff  }
0xd6: {  	[tilespmem:s13+$0x0] =	vst v11;
	s7 =	sor.u32 s24, s6;
	v11 =	vadd.s32 $0x2100, v6  }
0xd7: {  	s8 =	sadd.s32 $0x7480, s30;
	s0 =	sor.u32 s23, s6;
	[tilespmem:s7+$0x0] =	vst v8  }
0xd8: {  	s11 =	sor.u32 s26, s8;
	v8 =	vadd.s32 $0x2200, v0;
	v12 =	vld.idx.msk [tilespmem:v12+s9+$0x0], $0xffff;
	[tilespmem:s0+$0x0] =	vst v13  }
0xd9: {  	s12 =	sadd.s32 $0x7580, s22;
	s2 =	sor.u32 s28, s8;
	v13 =	vadd.s32 $0x2180, v3;
	v14 =	vld.idx.msk [tilespmem:v14+s9+$0x0], $0xffff;
	[tilespmem:s11+$0x0] =	vst v15  }
0xda: {  	s13 =	sor.u32 s20, s12;
	v15 =	vadd.s32 $0x2180, v4;
	v16 =	vld.idx.msk [tilespmem:v56+s9+$0x0], $0xffff;
	[tilespmem:s2+$0x0] =	vst v17  }
0xdb: {  	[tilespmem:s13+$0x0] =	vst v10;
	v10 =	vadd.s32 $0x2180, v5;
	s14 =	sadd.s32 $0x7500, s25;
	v11 =	vld.idx.msk [tilespmem:v11+s9+$0x0], $0xffff  }
0xdc: {  	[tilespmem:s16+$0x0] =	vst v7;
	v7 =	vadd.s32 $0x2180, v6;
	v9 =	vld.idx.msk [tilespmem:v9+s9+$0x0], $0xffff;
	s15 =	sor.u32 s24, s14  }
0xdd: {  	v2 =	vadd.s32 $0x2380, v2;
	s16 =	sadd.s32 $0x7500, s30;
	s0 =	sor.u32 s23, s14;
	v8 =	vld.idx.msk [tilespmem:v8+s9+$0x0], $0xffff;
	[tilespmem:s15+$0x0] =	vst v12  }
0xde: {  	s17 =	sor.u32 s26, s16;
	v12 =	vadd.s32 $0x2200, v1;
	v13 =	vld.idx.msk [tilespmem:v13+s9+$0x0], $0xffff;
	[tilespmem:s0+$0x0] =	vst v14  }
0xdf: {  	s2 =	sor.u32 s28, s16;
	v14 =	vadd.s32 $0x2200, v3;
	v15 =	vld.idx.msk [tilespmem:v15+s9+$0x0], $0xffff;
	[tilespmem:s17+$0x0] =	vst v16  }
0xe0: {  	v57 =	vadd.s32 $0x2200, v4;
	s18 =	sor.u32 s21, s12;
	s19 =	sadd.s32 $0x7600, s22;
	v10 =	vld.idx.msk [tilespmem:v10+s9+$0x0], $0xffff;
	[tilespmem:s2+$0x0] =	vst v11  }
0xe1: {  	[tilespmem:s18+$0x0] =	vst v9;
	v9 =	vadd.s32 $0x2200, v5;
	s29 =	sor.u32 s20, s19;
	s31 =	sadd.s32 $0x7580, s25;
	v7 =	vld.idx.msk [tilespmem:v7+s9+$0x0], $0xffff  }
0xe2: {  	v2 =	vld.idx.msk [tilespmem:v2+s9+$0x0], $0xffff;
	s4 =	sor.u32 s24, s31;
	[tilespmem:s29+$0x0] =	vst v8;
	v8 =	vadd.s32 $0x2200, v6  }
0xe3: {  	s5 =	sadd.s32 $0x7580, s30;
	v12 =	vld.idx.msk [tilespmem:v12+s9+$0x0], $0xffff;
	v11 =	vadd.s32 $0x2280, v0;
	s2 =	sor.u32 s23, s31;
	[tilespmem:s4+$0x0] =	vst v13  }
0xe4: {  	s6 =	sor.u32 s26, s5;
	v13 =	vadd.s32 $0x2280, v1;
	v14 =	vld.idx.msk [tilespmem:v14+s9+$0x0], $0xffff;
	[tilespmem:s2+$0x0] =	vst v15  }
0xe5: {  	s0 =	sor.u32 s28, s5;
	v15 =	vadd.s32 $0x2280, v3;
	v16 =	vld.idx.msk [tilespmem:v57+s9+$0x0], $0xffff;
	[tilespmem:s6+$0x0] =	vst v10  }
0xe6: {  	v10 =	vadd.s32 $0x2280, v4;
	v9 =	vld.idx.msk [tilespmem:v9+s9+$0x0], $0xffff;
	[tilespmem:s0+$0x0] =	vst v7  }
0xe7: {  	[tilespmem:s1+$0x0] =	vst v2;
	v2 =	vadd.s32 $0x2280, v5;
	s7 =	sor.u32 s21, s19;
	s8 =	sadd.s32 $0x7600, s25;
	v7 =	vld.idx.msk [tilespmem:v8+s9+$0x0], $0xffff  }
0xe8: {  	s11 =	sor.u32 s24, s8;
	[tilespmem:s7+$0x0] =	vst v12;
	v8 =	vld.idx.msk [tilespmem:v11+s9+$0x0], $0xffff;
	v11 =	vadd.s32 $0x2280, v6  }
0xe9: {  	s12 =	sadd.s32 $0x7600, s30;
	s1 =	sor.u32 s23, s8;
	v12 =	vadd.s32 $0x2300, v0;
	v13 =	vld.idx.msk [tilespmem:v13+s9+$0x0], $0xffff;
	[tilespmem:s11+$0x0] =	vst v14  }
0xea: {  	s13 =	sor.u32 s26, s12;
	v14 =	vadd.s32 $0x2300, v1;
	v15 =	vld.idx.msk [tilespmem:v15+s9+$0x0], $0xffff;
	[tilespmem:s1+$0x0] =	vst v16  }
0xeb: {  	v58 =	vadd.s32 $0x2300, v3;
	s14 =	sadd.s32 $0x7680, s22;
	s0 =	sor.u32 s28, s12;
	v10 =	vld.idx.msk [tilespmem:v10+s9+$0x0], $0xffff;
	[tilespmem:s13+$0x0] =	vst v9  }
0xec: {  	s15 =	sor.u32 s20, s14;
	v9 =	vadd.s32 $0x2300, v4;
	v2 =	vld.idx.msk [tilespmem:v2+s9+$0x0], $0xffff;
	[tilespmem:s0+$0x0] =	vst v7  }
0xed: {  	s16 =	sor.u32 s21, s14;
	s17 =	sadd.s32 $0x7680, s25;
	[tilespmem:s15+$0x0] =	vst v8;
	v7 =	vadd.s32 $0x2300, v5;
	v8 =	vld.idx.msk [tilespmem:v11+s9+$0x0], $0xffff  }
0xee: {  	s18 =	sor.u32 s24, s17;
	[tilespmem:s16+$0x0] =	vst v13;
	v11 =	vld.idx.msk [tilespmem:v12+s9+$0x0], $0xffff;
	v12 =	vadd.s32 $0x2300, v6  }
0xef: {  	s19 =	sadd.s32 $0x7680, s30;
	v0 =	vadd.s32 $0x2380, v0;
	s1 =	sor.u32 s23, s17;
	v13 =	vld.idx.msk [tilespmem:v14+s9+$0x0], $0xffff;
	[tilespmem:s18+$0x0] =	vst v15  }
0xf0: {  	s29 =	sor.u32 s26, s19;
	v1 =	vadd.s32 $0x2380, v1;
	v14 =	vld.idx.msk [tilespmem:v58+s9+$0x0], $0xffff;
	[tilespmem:s1+$0x0] =	vst v10  }
0xf1: {  	s31 =	sadd.s32 $0x7700, s22;
	v3 =	vadd.s32 $0x2380, v3;
	s0 =	sor.u32 s28, s19;
	v9 =	vld.idx.msk [tilespmem:v9+s9+$0x0], $0xffff;
	[tilespmem:s29+$0x0] =	vst v2  }
0xf2: {  	s3 =	sor.u32 s20, s31;
	v2 =	vadd.s32 $0x2380, v4;
	v4 =	vld.idx.msk [tilespmem:v7+s9+$0x0], $0xffff;
	[tilespmem:s0+$0x0] =	vst v8  }
0xf3: {  	s5 =	sadd.s32 $0x7700, s25;
	s4 =	sor.u32 s21, s31;
	v5 =	vadd.s32 $0x2380, v5;
	[tilespmem:s3+$0x0] =	vst v11;
	v7 =	vld.idx.msk [tilespmem:v12+s9+$0x0], $0xffff  }
0xf4: {  	s6 =	sor.u32 s24, s5;
	v6 =	vadd.s32 $0x2380, v6;
	[tilespmem:s4+$0x0] =	vst v13;
	v0 =	vld.idx.msk [tilespmem:v0+s9+$0x0], $0xffff  }
0xf5: {  	s7 =	sadd.s32 $0x7700, s30;
	s1 =	sor.u32 s23, s5;
	v1 =	vld.idx.msk [tilespmem:v1+s9+$0x0], $0xffff;
	[tilespmem:s6+$0x0] =	vst v14  }
0xf6: {  	s8 =	sor.u32 s26, s7;
	v3 =	vld.idx.msk [tilespmem:v3+s9+$0x0], $0xffff;
	[tilespmem:s1+$0x0] =	vst v9  }
0xf7: {  	s11 =	sadd.s32 $0x7780, s22;
	s0 =	sor.u32 s28, s7;
	v2 =	vld.idx.msk [tilespmem:v2+s9+$0x0], $0xffff;
	[tilespmem:s8+$0x0] =	vst v4  }
0xf8: {  	s12 =	sor.u32 s20, s11;
	v4 =	vld.idx.msk [tilespmem:v5+s9+$0x0], $0xffff;
	[tilespmem:s0+$0x0] =	vst v7  }
0xf9: {  	s14 =	sadd.s32 $0x7780, s25;
	s13 =	sor.u32 s21, s11;
	[tilespmem:s12+$0x0] =	vst v0;
	v0 =	vld.idx.msk [tilespmem:v6+s9+$0x0], $0xffff  }
0xfa: {  	s15 =	sor.u32 s24, s14;
	[tilespmem:s13+$0x0] =	vst v1  }
0xfb: {  	s16 =	sadd.s32 $0x7780, s30;
	s1 =	sor.u32 s23, s14;
	[tilespmem:s15+$0x0] =	vst v3  }
0xfc: {  	s17 =	sor.u32 s26, s16;
	[tilespmem:s1+$0x0] =	vst v2  }
0xfd: {  	s0 =	sor.u32 s28, s16;
	[tilespmem:s17+$0x0] =	vst v4  }
0xfe: {  	s18 =	simm.s32 $0x0;
	s19 =	simm.s32 $0x2;
	[tilespmem:s0+$0x0] =	vst v0  }
0xff: {  	s1 =	sand.u32 $0x60, s18;
	_ =	swait.ge [sflag:s19], $0x2000  }
0x100: {  	s20 =	sand.u32 $0x180, s18;
	s2 =	sor.u32 $0x10, s1;
	[sflag:s19] =	ssyncset.done $0x0  }
0x101: {  	s3 =	sor.u32 s2, s20;
	[sflag:s19] =	ssyncadd.s32 $0xFFFFE000  }
0x102: {  	s21 =	simm.s32 $0x200;
	v0 =	vld [tilespmem:s3+$0x200]  }
0x103: {  	v1 =	vld [tilespmem:s21+$0x0];
	_ =	sdelay $0x3  }
0x104: {  	v2 =	vshll.u32 v0, $0x3  }
0x105: {  	v3 =	vshll.u32 v1, $0x3;
	v0 =	vand.u32 $0x7F, v0;
	v2 =	vand.u32 $0xFFFFFC00, v2  }
0x106: {  	v1 =	vand.u32 $0x7F, v1;
	v3 =	vand.u32 $0xFFFFFC00, v3;
	v4 =	vor.u32 v0, v2  }
0x107: {  	v6 =	vor.u32 v1, v3;
	_ =	sdelay $0x3  }
0x108: {  	s22 =	simm.s32 $0x20;
	v0 =	vld.idx.msk [tilespmem:v4+s10+$0x0], $0xffff  }
0x109: {  	s20 =	sand.u32 $0x60, s22;
	v2 =	vor.u32 $0x80, v4;
	v1 =	vld.idx.msk [tilespmem:v6+s10+$0x0], $0xffff  }
0x10a: {  	s5 =	sand.u32 $0xC00, s18;
	s3 =	sand.u32 $0x180, s22;
	s21 =	sor.u32 $0x10, s20;
	v3 =	vor.u32 $0x80, v6  }
0x10b: {  	s0 =	sadd.s32 $0x8400, s5;
	s3 =	sor.u32 s21, s3  }
0x10c: {  	s23 =	simm.s32 $0x220;
	s6 =	sor.u32 s2, s0;
	v5 =	vld [tilespmem:s3+$0x200]  }
0x10d: {  	s0 =	sor.u32 s1, s0;
	v7 =	vld [tilespmem:s23+$0x0];
	[tilespmem:s6+$0x0] =	vst v0  }
0x10e: {  	[tilespmem:s0+$0x0] =	vst v1;
	v0 =	vld.idx.msk [tilespmem:v2+s10+$0x0], $0xffff  }
0x10f: {  	v2 =	vld.idx.msk [tilespmem:v3+s10+$0x0], $0xffff;
	v3 =	vor.u32 $0x100, v4  }
0x110: {  	v8 =	vor.u32 $0x100, v6  }
0x111: {  	s24 =	sadd.s32 $0x8480, s5;
	v1 =	vshll.u32 v5, $0x3  }
0x112: {  	s25 =	sor.u32 s2, s24;
	v9 =	vshll.u32 v7, $0x3;
	v5 =	vand.u32 $0x7F, v5;
	v1 =	vand.u32 $0xFFFFFC00, v1  }
0x113: {  	v7 =	vand.u32 $0x7F, v7;
	v9 =	vand.u32 $0xFFFFFC00, v9;
	s0 =	sor.u32 s1, s24;
	v1 =	vor.u32 v5, v1;
	[tilespmem:s25+$0x0] =	vst v0  }
0x114: {  	v0 =	vor.u32 v7, v9;
	[tilespmem:s0+$0x0] =	vst v2;
	v2 =	vld.idx.msk [tilespmem:v3+s10+$0x0], $0xffff  }
0x115: {  	v5 =	vor.u32 $0x180, v4;
	v3 =	vld.idx.msk [tilespmem:v8+s10+$0x0], $0xffff  }
0x116: {  	v7 =	vor.u32 $0x180, v6  }
0x117: {  	s26 =	sadd.s32 $0x8500, s5  }
0x118: {  	s28 =	sor.u32 s2, s26;
	v8 =	vld.idx.msk [tilespmem:v1+s10+$0x0], $0xffff  }
0x119: {  	s30 =	simm.s32 $0x100;
	s29 =	simm.s32 $0x40;
	s0 =	sor.u32 s1, s26;
	v9 =	vld.idx.msk [tilespmem:v0+s10+$0x0], $0xffff;
	[tilespmem:s28+$0x0] =	vst v2;
	v2 =	vor.u32 $0x80, v1  }
0x11a: {  	s31 =	simm.s32 $0x240;
	s22 =	sand.u32 $0x60, s29;
	s24 =	sand.u32 $0xC00, s30;
	[tilespmem:s0+$0x0] =	vst v3;
	v3 =	vld.idx.msk [tilespmem:v5+s10+$0x0], $0xffff;
	v5 =	vor.u32 $0x80, v0  }
0x11b: {  	s7 =	sand.u32 $0x180, s29;
	s23 =	sor.u32 $0x10, s22;
	v10 =	vor.u32 $0x200, v4;
	s8 =	sadd.s32 $0x8400, s24;
	v7 =	vld.idx.msk [tilespmem:v7+s10+$0x0], $0xffff  }
0x11c: {  	v11 =	vld [tilespmem:s31+$0x0];
	v12 =	vor.u32 $0x200, v6;
	s11 =	sor.u32 s21, s8;
	s0 =	sor.u32 s23, s7  }
0x11d: {  	s13 =	sadd.s32 $0x8580, s5;
	s12 =	sor.u32 s20, s8;
	[tilespmem:s11+$0x0] =	vst v8;
	v13 =	vld [tilespmem:s0+$0x200]  }
0x11e: {  	s14 =	sor.u32 s2, s13;
	[tilespmem:s12+$0x0] =	vst v9;
	v8 =	vld.idx.msk [tilespmem:v2+s10+$0x0], $0xffff  }
0x11f: {  	s3 =	sor.u32 s1, s13;
	v9 =	vor.u32 $0x100, v1;
	v5 =	vld.idx.msk [tilespmem:v5+s10+$0x0], $0xffff;
	[tilespmem:s14+$0x0] =	vst v3  }
0x120: {  	[tilespmem:s3+$0x0] =	vst v7;
	v7 =	vld.idx.msk [tilespmem:v10+s10+$0x0], $0xffff;
	v10 =	vor.u32 $0x100, v0  }
0x121: {  	s15 =	sadd.s32 $0x8480, s24;
	v2 =	vand.u32 $0x7F, v11;
	v3 =	vshll.u32 v11, $0x3;
	v11 =	vor.u32 $0x280, v4;
	v12 =	vld.idx.msk [tilespmem:v12+s10+$0x0], $0xffff  }
0x122: {  	v15 =	vor.u32 $0x280, v6;
	s16 =	sor.u32 s21, s15;
	v14 =	vshll.u32 v13, $0x3;
	v3 =	vand.u32 $0xFFFFFC00, v3  }
0x123: {  	s17 =	sadd.s32 $0x8600, s5;
	s0 =	sor.u32 s20, s15;
	v2 =	vor.u32 v2, v3;
	v3 =	vand.u32 $0x7F, v13;
	v13 =	vand.u32 $0xFFFFFC00, v14;
	[tilespmem:s16+$0x0] =	vst v8  }
0x124: {  	s18 =	sor.u32 s2, s17;
	v3 =	vor.u32 v3, v13;
	[tilespmem:s0+$0x0] =	vst v5;
	v5 =	vld.idx.msk [tilespmem:v9+s10+$0x0], $0xffff  }
0x125: {  	s3 =	sor.u32 s1, s17;
	v8 =	vld.idx.msk [tilespmem:v10+s10+$0x0], $0xffff;
	[tilespmem:s18+$0x0] =	vst v7;
	v7 =	vor.u32 $0x180, v1  }
0x126: {  	[tilespmem:s3+$0x0] =	vst v12;
	v9 =	vld.idx.msk [tilespmem:v11+s10+$0x0], $0xffff  }
0x127: {  	s19 =	sadd.s32 $0x8500, s24;
	v10 =	vor.u32 $0x180, v0;
	v11 =	vld.idx.msk [tilespmem:v15+s10+$0x0], $0xffff  }
0x128: {  	s29 =	simm.s32 $0x200;
	s25 =	sor.u32 s21, s19;
	v12 =	vor.u32 $0x300, v4;
	v13 =	vld.idx.msk [tilespmem:v2+s10+$0x0], $0xffff  }
0x129: {  	s8 =	simm.s32 $0x260;
	s26 =	sadd.s32 $0x8680, s5;
	s0 =	sor.u32 s20, s19;
	v14 =	vld.idx.msk [tilespmem:v3+s10+$0x0], $0xffff;
	[tilespmem:s25+$0x0] =	vst v5  }
0x12a: {  	s30 =	sor.u32 s2, s26;
	s28 =	simm.s32 $0x60;
	s3 =	sand.u32 $0xC00, s29;
	v5 =	vor.u32 $0x80, v3;
	[tilespmem:s0+$0x0] =	vst v8;
	v7 =	vld.idx.msk [tilespmem:v7+s10+$0x0], $0xffff  }
0x12b: {  	s31 =	sadd.s32 $0x8400, s3;
	v15 =	vld [tilespmem:s8+$0x0];
	s0 =	sand.u32 $0x60, s28;
	[tilespmem:s30+$0x0] =	vst v9;
	v9 =	vor.u32 $0x200, v1  }
0x12c: {  	s6 =	sand.u32 $0x180, s28;
	s12 =	sor.u32 s22, s31;
	v8 =	vor.u32 $0x80, v2;
	v10 =	vld.idx.msk [tilespmem:v10+s10+$0x0], $0xffff;
	s25 =	sor.u32 $0x10, s0  }
0x12d: {  	s13 =	sadd.s32 $0x8580, s24;
	s11 =	sor.u32 s23, s31;
	[tilespmem:s12+$0x0] =	vst v13;
	v13 =	vor.u32 $0x300, v6;
	v12 =	vld.idx.msk [tilespmem:v12+s10+$0x0], $0xffff;
	s6 =	sor.u32 s25, s6  }
0x12e: {  	v59 =	vor.u32 $0x200, v0;
	s14 =	sor.u32 s21, s13;
	[tilespmem:s11+$0x0] =	vst v14;
	v60 =	vld [tilespmem:s6+$0x200]  }
0x12f: {  	v4 =	vor.u32 $0x380, v4;
	v5 =	vld.idx.msk [tilespmem:v5+s10+$0x0], $0xffff;
	[tilespmem:s14+$0x0] =	vst v7  }
0x130: {  	s4 =	sor.u32 s1, s26;
	v7 =	vor.u32 $0x100, v3;
	v9 =	vld.idx.msk [tilespmem:v9+s10+$0x0], $0xffff  }
0x131: {  	s7 =	sor.u32 s20, s13;
	s15 =	sadd.s32 $0x8700, s5;
	[tilespmem:s4+$0x0] =	vst v11;
	v8 =	vld.idx.msk [tilespmem:v8+s10+$0x0], $0xffff  }
0x132: {  	s16 =	sor.u32 s2, s15;
	s17 =	sadd.s32 $0x8480, s3;
	[tilespmem:s7+$0x0] =	vst v10;
	v10 =	vor.u32 $0x100, v2;
	v13 =	vld.idx.msk [tilespmem:v13+s10+$0x0], $0xffff  }
0x133: {  	v61 =	vor.u32 $0x280, v1;
	s19 =	sadd.s32 $0x8600, s24;
	s18 =	sor.u32 s23, s17;
	v14 =	vld.idx.msk [tilespmem:v59+s10+$0x0], $0xffff;
	[tilespmem:s16+$0x0] =	vst v12  }
0x134: {  	v62 =	vor.u32 $0x280, v0;
	s26 =	sor.u32 s21, s19;
	v12 =	vand.u32 $0x7F, v15;
	v15 =	vshll.u32 v15, $0x3;
	v11 =	vld.idx.msk [tilespmem:v4+s10+$0x0], $0xffff;
	[tilespmem:s18+$0x0] =	vst v5  }
0x135: {  	s7 =	sor.u32 s22, s17;
	v4 =	vand.u32 $0xFFFFFC00, v15;
	v15 =	vshll.u32 v60, $0x3;
	v7 =	vld.idx.msk [tilespmem:v7+s10+$0x0], $0xffff;
	[tilespmem:s26+$0x0] =	vst v9;
	v9 =	vor.u32 $0x380, v6  }
0x136: {  	v4 =	vor.u32 v12, v4;
	v12 =	vand.u32 $0x7F, v60;
	v15 =	vand.u32 $0xFFFFFC00, v15;
	[tilespmem:s7+$0x0] =	vst v8  }
0x137: {  	s4 =	sor.u32 s20, s19;
	v5 =	vor.u32 v12, v15;
	v15 =	vld.idx.msk [tilespmem:v10+s10+$0x0], $0xffff  }
0x138: {  	v63 =	vor.u32 $0x180, v3;
	s29 =	sadd.s32 $0x8500, s3;
	s28 =	sor.u32 s1, s15;
	[tilespmem:s4+$0x0] =	vst v14;
	v8 =	vld.idx.msk [tilespmem:v61+s10+$0x0], $0xffff  }
0x139: {  	s30 =	sor.u32 s23, s29;
	v12 =	vor.u32 $0x180, v2;
	[tilespmem:s28+$0x0] =	vst v13;
	v6 =	vld.idx.msk [tilespmem:v62+s10+$0x0], $0xffff  }
0x13a: {  	s5 =	sadd.s32 $0x8780, s5;
	[tilespmem:s30+$0x0] =	vst v7;
	v7 =	vld.idx.msk [tilespmem:v9+s10+$0x0], $0xffff;
	v9 =	vor.u32 $0x300, v1  }
0x13b: {  	s2 =	sor.u32 s2, s5;
	s8 =	sadd.s32 $0x8680, s24;
	s31 =	sor.u32 s22, s29;
	v10 =	vld.idx.msk [tilespmem:v4+s10+$0x0], $0xffff  }
0x13c: {  	s1 =	sor.u32 s1, s5;
	s5 =	simm.s32 $0x280;
	s11 =	sor.u32 s21, s8;
	[tilespmem:s2+$0x0] =	vst v11;
	v13 =	vld.idx.msk [tilespmem:v5+s10+$0x0], $0xffff  }
0x13d: {  	s6 =	simm.s32 $0x80;
	s7 =	simm.s32 $0x300;
	v14 =	vor.u32 $0x80, v5;
	s2 =	simm.s32 $0x6;
	[tilespmem:s31+$0x0] =	vst v15;
	v11 =	vld.idx.msk [tilespmem:v63+s10+$0x0], $0xffff  }
.LBB2_4:
0x13e: {  	s13 =	sand.u32 $0x60, s6;
	s4 =	sand.u32 $0x180, s6;
	s14 =	sand.u32 $0xC00, s7;
	v15 =	vor.u32 $0x80, v4;
	v12 =	vld.idx.msk [tilespmem:v12+s10+$0x0], $0xffff;
	[tilespmem:s11+$0x0] =	vst v8  }
0x13f: {  	s2 =	sadd.s32 $0x2, s2;
	v8 =	vor.u32 $0x200, v3;
	s11 =	sor.u32 $0x10, s13;
	s12 =	sadd.s32 $0x8400, s14;
	v9 =	vld.idx.msk [tilespmem:v9+s10+$0x0], $0xffff  }
0x140: {  	v17 =	vor.u32 $0x200, v2;
	p0 =	slt.u32 s2, $0x1E;
	v16 =	vld [tilespmem:s5+$0x0];
	s4 =	sor.u32 s11, s4;
	s15 =	sor.u32 s25, s12  }
0x141: {  	s8 =	sor.u32 s20, s8;
	v18 =	vld [tilespmem:s4+$0x200];
	s4 =	sor.u32 s0, s12;
	[tilespmem:s15+$0x0] =	vst v13;
	s12 =	sadd.s32 $0x8580, s3;
	v13 =	vor.u32 $0x380, v1;
	v1 =	vmov v3;
	v3 =	vmov v5  }
0x142: {  	[tilespmem:s4+$0x0] =	vst v10;
	v5 =	vld.idx.msk [tilespmem:v14+s10+$0x0], $0xffff;
	s4 =	sor.u32 s22, s12;
	s12 =	sor.u32 s23, s12;
	v10 =	vor.u32 $0x300, v0  }
0x143: {  	v14 =	vld.idx.msk [tilespmem:v15+s10+$0x0], $0xffff;
	[tilespmem:s12+$0x0] =	vst v11;
	s12 =	sadd.s32 $0x8700, s24  }
0x144: {  	v11 =	vor.u32 $0x100, v3;
	[tilespmem:s4+$0x0] =	vst v12;
	v8 =	vld.idx.msk [tilespmem:v8+s10+$0x0], $0xffff;
	s4 =	sor.u32 s20, s12;
	s12 =	sor.u32 s21, s12  }
0x145: {  	v12 =	vor.u32 $0x100, v4;
	v15 =	vld.idx.msk [tilespmem:v17+s10+$0x0], $0xffff;
	[tilespmem:s12+$0x0] =	vst v9  }
0x146: {  	v9 =	vand.u32 $0x7F, v16;
	v16 =	vshll.u32 v16, $0x3;
	s12 =	sadd.s32 $0x8480, s14;
	v17 =	vor.u32 $0x280, v1;
	[tilespmem:s8+$0x0] =	vst v6;
	v13 =	vld.idx.msk [tilespmem:v13+s10+$0x0], $0xffff  }
0x147: {  	v19 =	vor.u32 $0x280, v2;
	v6 =	vand.u32 $0xFFFFFC00, v16;
	v16 =	vshll.u32 v18, $0x3;
	s8 =	sor.u32 s0, s12;
	s12 =	sor.u32 s25, s12;
	v20 =	vld.idx.msk [tilespmem:v10+s10+$0x0], $0xffff;
	[tilespmem:s1+$0x0] =	vst v7  }
0x148: {  	v7 =	vor.u32 v9, v6;
	v6 =	vand.u32 $0x7F, v18;
	v9 =	vand.u32 $0xFFFFFC00, v16;
	s1 =	sadd.s32 $0x8600, s3;
	[tilespmem:s12+$0x0] =	vst v5  }
0x149: {  	v5 =	vor.u32 v6, v9;
	[tilespmem:s8+$0x0] =	vst v14;
	v11 =	vld.idx.msk [tilespmem:v11+s10+$0x0], $0xffff;
	s8 =	sor.u32 s22, s1;
	s1 =	sor.u32 s23, s1  }
0x14a: {  	s12 =	sadd.s32 $0x8780, s24;
	s24 =	smov.u32 s3;
	s3 =	smov.u32 s14;
	v14 =	vor.u32 $0x380, v0;
	v0 =	vmovc v2;
	v2 =	vmov v4;
	v4 =	vmov v7;
	v16 =	vld.idx.msk [tilespmem:v12+s10+$0x0], $0xffff;
	[tilespmem:s1+$0x0] =	vst v8  }
0x14b: {  	v18 =	vor.u32 $0x180, v3;
	s1 =	sor.u32 s20, s12;
	s20 =	smov.u32 s22;
	[tilespmem:s8+$0x0] =	vst v15;
	v8 =	vld.idx.msk [tilespmem:v17+s10+$0x0], $0xffff;
	s8 =	sor.u32 s21, s12  }
.Ltmp1:
0x14c: {  	v12 =	vor.u32 $0x180, v2;
	s22 =	smov.u32 s0;
	s0 =	smov.u32 s13;
	v6 =	vld.idx.msk [tilespmem:v19+s10+$0x0], $0xffff;
	[tilespmem:s8+$0x0] =	vst v13;
	(pc) =	sbr.rel @p0 .LBB2_4-.Ltmp1, $4  }
0x14d: {  	v9 =	vor.u32 $0x300, v1;
	s21 =	smov.u32 s23;
	s23 =	smov.u32 s25;
	s8 =	sadd.s32 $0x8500, s3;
	v10 =	vld.idx.msk [tilespmem:v7+s10+$0x0], $0xffff;
	[tilespmem:s4+$0x0] =	vst v20  }
0x14e: {  	s25 =	smov.u32 s11;
	s4 =	sor.u32 s22, s8;
	s8 =	sor.u32 s23, s8;
	v13 =	vld.idx.msk [tilespmem:v5+s10+$0x0], $0xffff  }
0x14f: {  	s5 =	sadd.s32 $0x20, s5;
	[tilespmem:s8+$0x0] =	vst v11;
	s8 =	sadd.s32 $0x8680, s24;
	v7 =	vld.idx.msk [tilespmem:v14+s10+$0x0], $0xffff  }
0x150: {  	s6 =	sadd.s32 $0x20, s6;
	s7 =	sadd.s32 $0x100, s7;
	v14 =	vor.u32 $0x80, v5;
	[tilespmem:s4+$0x0] =	vst v16;
	v11 =	vld.idx.msk [tilespmem:v18+s10+$0x0], $0xffff;
	s11 =	sor.u32 s21, s8  }
0x151: {  	s2 =	sand.u32 $0xC00, s7;
	v15 =	vor.u32 $0x80, v4  }
0x152: {  	s4 =	sadd.s32 $0x8400, s2  }
0x153: {  	s5 =	sor.u32 s25, s4  }
0x154: {  	s4 =	sor.u32 s0, s4;
	[tilespmem:s5+$0x0] =	vst v13  }
0x155: {  	[tilespmem:s4+$0x0] =	vst v10;
	v33 =	vld.idx.msk [tilespmem:v14+s10+$0x0], $0xffff  }
0x156: {  	v35 =	vor.u32 $0x100, v5;
	v34 =	vld.idx.msk [tilespmem:v15+s10+$0x0], $0xffff  }
0x157: {  	v36 =	vor.u32 $0x100, v4  }
0x158: {  	s6 =	sadd.s32 $0x8480, s2  }
0x159: {  	s7 =	sor.u32 s25, s6  }
0x15a: {  	s4 =	sor.u32 s0, s6;
	[tilespmem:s7+$0x0] =	vst v33  }
0x15b: {  	[tilespmem:s4+$0x0] =	vst v34;
	v10 =	vld.idx.msk [tilespmem:v35+s10+$0x0], $0xffff  }
0x15c: {  	v37 =	vor.u32 $0x180, v5;
	v13 =	vld.idx.msk [tilespmem:v36+s10+$0x0], $0xffff  }
0x15d: {  	v38 =	vor.u32 $0x180, v4  }
0x15e: {  	s12 =	sadd.s32 $0x8500, s2  }
0x15f: {  	s13 =	sor.u32 s25, s12  }
0x160: {  	v12 =	vld.idx.msk [tilespmem:v12+s10+$0x0], $0xffff;
	v16 =	vor.u32 $0x200, v3;
	s4 =	sor.u32 s0, s12;
	[tilespmem:s13+$0x0] =	vst v10  }
0x161: {  	v39 =	vor.u32 $0x200, v2;
	[tilespmem:s4+$0x0] =	vst v13;
	v40 =	vld.idx.msk [tilespmem:v37+s10+$0x0], $0xffff  }
0x162: {  	s14 =	sadd.s32 $0x8580, s3;
	v42 =	vor.u32 $0x200, v5;
	v41 =	vld.idx.msk [tilespmem:v38+s10+$0x0], $0xffff  }
0x163: {  	v17 =	vor.u32 $0x200, v4;
	s15 =	sor.u32 s23, s14  }
0x164: {  	s16 =	sadd.s32 $0x8580, s2;
	[tilespmem:s15+$0x0] =	vst v11;
	s4 =	sor.u32 s22, s14  }
0x165: {  	s17 =	sor.u32 s25, s16;
	v11 =	vld.idx.msk [tilespmem:v16+s10+$0x0], $0xffff;
	[tilespmem:s4+$0x0] =	vst v12  }
0x166: {  	v43 =	vor.u32 $0x280, v3;
	s18 =	sor.u32 s0, s16;
	v10 =	vld.idx.msk [tilespmem:v39+s10+$0x0], $0xffff;
	[tilespmem:s17+$0x0] =	vst v40  }
0x167: {  	v44 =	vor.u32 $0x280, v2;
	[tilespmem:s18+$0x0] =	vst v41;
	v45 =	vld.idx.msk [tilespmem:v42+s10+$0x0], $0xffff  }
0x168: {  	s19 =	sadd.s32 $0x8600, s3;
	v47 =	vor.u32 $0x280, v5;
	v46 =	vld.idx.msk [tilespmem:v17+s10+$0x0], $0xffff  }
0x169: {  	[tilespmem:s11+$0x0] =	vst v8;
	v48 =	vor.u32 $0x280, v4;
	s26 =	sor.u32 s23, s19  }
0x16a: {  	s28 =	sadd.s32 $0x8600, s2;
	[tilespmem:s26+$0x0] =	vst v11;
	s4 =	sor.u32 s22, s19  }
0x16b: {  	v49 =	vor.u32 $0x300, v0;
	s29 =	sor.u32 s25, s28;
	v50 =	vld.idx.msk [tilespmem:v43+s10+$0x0], $0xffff;
	[tilespmem:s4+$0x0] =	vst v10  }
0x16c: {  	v52 =	vor.u32 $0x300, v3;
	s5 =	sor.u32 s0, s28;
	v51 =	vld.idx.msk [tilespmem:v44+s10+$0x0], $0xffff;
	[tilespmem:s29+$0x0] =	vst v45  }
0x16d: {  	v53 =	vor.u32 $0x300, v2;
	[tilespmem:s5+$0x0] =	vst v46;
	v14 =	vld.idx.msk [tilespmem:v47+s10+$0x0], $0xffff  }
0x16e: {  	v55 =	vor.u32 $0x300, v5;
	s6 =	sor.u32 s20, s8;
	[tilespmem:s1+$0x0] =	vst v7;
	s7 =	sadd.s32 $0x8680, s3;
	v54 =	vld.idx.msk [tilespmem:v48+s10+$0x0], $0xffff  }
0x16f: {  	v56 =	vor.u32 $0x300, v4;
	v9 =	vld.idx.msk [tilespmem:v9+s10+$0x0], $0xffff;
	[tilespmem:s6+$0x0] =	vst v6;
	s8 =	sor.u32 s23, s7  }
0x170: {  	v1 =	vor.u32 $0x380, v1;
	s11 =	sadd.s32 $0x8680, s2;
	v11 =	vld.idx.msk [tilespmem:v49+s10+$0x0], $0xffff;
	[tilespmem:s8+$0x0] =	vst v50;
	s5 =	sor.u32 s22, s7  }
0x171: {  	v57 =	vor.u32 $0x380, v0;
	s12 =	sor.u32 s25, s11;
	v10 =	vld.idx.msk [tilespmem:v52+s10+$0x0], $0xffff;
	[tilespmem:s5+$0x0] =	vst v51  }
0x172: {  	s30 =	sadd.s32 $0x8700, s24;
	v58 =	vor.u32 $0x380, v3;
	s13 =	sor.u32 s0, s11;
	v8 =	vld.idx.msk [tilespmem:v53+s10+$0x0], $0xffff;
	[tilespmem:s12+$0x0] =	vst v14  }
0x173: {  	v59 =	vor.u32 $0x380, v2;
	s31 =	sor.u32 s21, s30;
	v60 =	vld.idx.msk [tilespmem:v55+s10+$0x0], $0xffff;
	[tilespmem:s13+$0x0] =	vst v54  }
0x174: {  	v61 =	vor.u32 $0x380, v5;
	[tilespmem:s31+$0x0] =	vst v9;
	s14 =	sadd.s32 $0x8700, s3;
	s4 =	sor.u32 s20, s30;
	v6 =	vld.idx.msk [tilespmem:v56+s10+$0x0], $0xffff  }
0x175: {  	v62 =	vor.u32 $0x380, v4;
	v1 =	vld.idx.msk [tilespmem:v1+s10+$0x0], $0xffff;
	s15 =	sor.u32 s23, s14;
	[tilespmem:s4+$0x0] =	vst v11  }
0x176: {  	s16 =	sadd.s32 $0x8700, s2;
	s1 =	sor.u32 s22, s14;
	v0 =	vld.idx.msk [tilespmem:v57+s10+$0x0], $0xffff;
	[tilespmem:s15+$0x0] =	vst v10  }
0x177: {  	s17 =	sor.u32 s25, s16;
	v3 =	vld.idx.msk [tilespmem:v58+s10+$0x0], $0xffff;
	[tilespmem:s1+$0x0] =	vst v8  }
0x178: {  	s18 =	sadd.s32 $0x8780, s24;
	s4 =	sor.u32 s0, s16;
	v2 =	vld.idx.msk [tilespmem:v59+s10+$0x0], $0xffff;
	[tilespmem:s17+$0x0] =	vst v60  }
0x179: {  	s19 =	sor.u32 s21, s18;
	v5 =	vld.idx.msk [tilespmem:v61+s10+$0x0], $0xffff;
	[tilespmem:s4+$0x0] =	vst v6  }
0x17a: {  	s20 =	sor.u32 s20, s18;
	s21 =	sadd.s32 $0x8780, s3;
	[tilespmem:s19+$0x0] =	vst v1;
	v63 =	vld.idx.msk [tilespmem:v62+s10+$0x0], $0xffff  }
0x17b: {  	s3 =	sor.u32 s23, s21;
	[tilespmem:s20+$0x0] =	vst v0  }
0x17c: {  	s2 =	sadd.s32 $0x8780, s2;
	[tilespmem:s3+$0x0] =	vst v3;
	s1 =	sor.u32 s22, s21  }
0x17d: {  	s23 =	sor.u32 s25, s2;
	[tilespmem:s1+$0x0] =	vst v2  }
0x17e: {  	s24 =	sor.u32 s0, s2;
	[tilespmem:s23+$0x0] =	vst v5  }
0x17f: {  	s28 =	simm.s32 $0x6400;
	s26 =	simm.s32 $0x20000;
	[tilespmem:s24+$0x0] =	vst v63  }
0x180: {  	s25 =	simm.s32 $0x1000;
	s29 =	simm.s32 $0x4;
	s0 =	rddreg [dreg:$0x8]  }
0x181: {  	[hbm4b:s0+s25] =	stream.strided.scatter [tilespmem:s28], [sflag:$0x4], $0x3000, s26, s25, $0x38;
	[tilespmem:$0x9400] =	vst v63  }
0x182: {  	_ =	swait.ge [sflag:s29], $0x3000  }
0x183: {  	s30 =	rddreg [dreg:$0xa]  }
0x184: {  	s31 =	rddreg [dreg:$0x9];
	s2 =	sadd.s32 $0x1, s30  }
0x185: {  	p0 =	sne.s32 s2, s31  }
.Ltmp2:
0x186: {  	_ = 	snop;
	(pc) =	sbr.rel @p0 .LBB2_1-.Ltmp2, $3  }
0x187: {  	_ =	sdelay $0x1  }
0x188: {  	[sflag:s29] =	ssyncset.done $0x0  }
0x189: {  	[sflag:s29] =	ssyncadd.s32 $0xFFFFD000  }
0x18a: {  	_ =	sfence.sel $0x180000  }
0x18b: {  	[bflag:$0x0] =	sbarrier.arrive $0xFFFF  }
0x18c: {  	_ =	strace $0x90000047  }
0x18d: {  	s0 =	stileid.u32;
	[bflag:$0x2] =	sbarrier.arrive $0xFFFF  }
0x18e: {  	p0 =	sne.s32 s0, $0x0;
	s0 =	rddreg [dreg:$0x5]  }
0x18f: {  	s0 =	sadd.s32 @!p0 $0x100000, s0  }
0x190: {  	[sflag:s0] =	ssyncadd.tile.s32 @!p0 $0x1;
	_ =	shalt  }
.Lfunc_end2:
_tile_overlayer_lowered:
.L_overlay_start_2:
0x191: {  	(tag) =	ssettag $0x2  }
0x192: {  	s0 =	rddreg [dreg:$0x0];
	s2 =	stileid.u32  }
0x193: {  	s1 =	rddreg [dreg:$0x1];
	p0 =	sne.s32 s2, $0x0  }
0x194: {  	s3 =	rddreg [dreg:$0x2];
	[bflag:$0x3] =	sbarrier.arrive $0xFFFF;
	s2 =	simm.s32 @!p0 $0x1C04  }
0x195: {  	[timem:s3], [sflag:s2] =	dma.local @!p0 [hbm:s0], s1  }
0x196: {  	s0 =	simm.s32 @!p0 $0x4  }
0x197: {  	_ =	swait.ge @!p0 [sflag:s0], s1  }
0x198: {  	s1 =	ssub.s32 @!p0 $0x0, s1;
	[sflag:s0] =	ssyncset.done @!p0 $0x0  }
0x199: {  	[sflag:s0] =	ssyncadd.s32 @!p0 s1  }
0x19a: {  	[bflag:$0x3] =	sbarrier.arrive $0xFFFF  }
0x19b: {  	_ =	shalt  }

</sc_bundles>
